<compile_context>
chip_gen: v7x
topology: tpu7x:2x2x1
jax: 0.10.2.dev20260603
libtpu: 0.0.44.dev20260713+nightly
codegen_flags: <defaults>
</compile_context>

<pallas_src>
import functools
import numpy as np
import jax
import jax.numpy as jnp
from jax import lax
from jax.experimental import pallas as pl
from jax.experimental.pallas import tpu as pltpu
from jax.experimental.pallas import tpu_sc as plsc

_N = 1000000
_M = 100
_K = 11
_L = 16
_NCH = 7
_NW = 32
_CHUNK = 31248
_TAIL = _N - _NW * _CHUNK
_TAIL_BASE = _NW * _CHUNK
_UNROLL = 9
_NITER = _CHUNK // (_L * _UNROLL)
_INF = float(np.inf)

_PERM100 = np.asarray([
    168450, 920172, 395105, 263872, 221109, 78064, 858077, 520158, 330145,
    555220, 766525, 15925, 447126, 550083, 583420, 413555, 662564, 151649,
    528156, 786375, 391712, 285245, 201641, 174004, 8595, 602412, 882598,
    554843, 78597, 752653, 318832, 130130, 118778, 291031, 851275, 141787,
    69026, 509543, 678130, 987805, 152648, 243323, 177380, 689120, 816119,
    177489, 745975, 143737, 943136, 266152, 786620, 853560, 969641, 861815,
    244708, 978776, 248512, 45655, 23208, 370197, 107389, 588445, 468632,
    950894, 196375, 417740, 909312, 483740, 709397, 199205, 358812, 550817,
    671241, 541311, 454740, 76131, 105319, 123046, 186913, 746742, 891006,
    952967, 678045, 6549, 906382, 491437, 728325, 614679, 750116, 162766,
    880843, 815723, 800078, 455911, 716915, 877054, 313050, 164116, 158191,
    157157,
], dtype=np.int32)

_IDX_PAD = np.zeros((128,), dtype=np.int32)
_IDX_PAD[:_M] = _PERM100


def _vsqrt(x):
    bits = lax.bitcast_convert_type(x, jnp.int32)
    s = lax.bitcast_convert_type(
        (bits >> 1) + jnp.int32(0x1FBD1DF5), jnp.float32)
    for _ in range(3):
        s = jnp.float32(0.5) * (s + x / s)
    return s


def _lex_take(k, i, k2, i2):
    take = (k2 < k) | ((k2 == k) & (i2 < i))
    return jnp.where(take, k2, k), jnp.where(take, i2, i)


def _sc_body(yp_hbm, yt_hbm, cxy_hbm, idx_hbm, out_hbm,
             yp_buf, yt_buf, tyb, ttb, idx_v,
             yps, yts, cxs, cys, rsub, fscr, orow, sem0, sem1, sem2):
    c = lax.axis_index("c")
    s = lax.axis_index("s")
    w = s * 2 + c
    base = w * _CHUNK

    pltpu.sync_copy(idx_hbm, idx_v)
    g0 = pltpu.async_copy(yp_hbm.at[idx_v], yps, sem2)
    g1 = pltpu.async_copy(yt_hbm.at[idx_v], yts, sem2)
    pltpu.sync_copy(cxy_hbm.at[0], cxs)
    pltpu.sync_copy(cxy_hbm.at[1], cys)

    cp0 = pltpu.async_copy(yp_hbm.at[pl.ds(base, _CHUNK)], yp_buf, sem0)
    cp1 = pltpu.async_copy(yt_hbm.at[pl.ds(base, _CHUNK)], yt_buf, sem1)

    zero16 = jnp.zeros((_L,), jnp.float32)
    for k in range(_TAIL // _L):
        tyb[pl.ds(k * _L, _L)] = zero16
        ttb[pl.ds(k * _L, _L)] = zero16

    @pl.when(w == _NW - 1)
    def _():
        pltpu.sync_copy(yp_hbm.at[pl.ds(_TAIL_BASE, _TAIL)], tyb)
        pltpu.sync_copy(yt_hbm.at[pl.ds(_TAIL_BASE, _TAIL)], ttb)

    g0.wait()
    g1.wait()

    iota = lax.iota(jnp.int32, _L)
    cxv, cyv, gidx = [], [], []
    for ci in range(_NCH):
        sl = pl.ds(ci * _L, _L)
        rsub[sl] = yps[sl] - yts[sl]
        gidx.append(iota + ci * _L)
        cxv.append(cxs[sl])
        cyv.append(cys[sl])
    rsub[pl.ds(_NCH * _L, _L)] = zero16

    def splat(ref, j):
        return plsc.load_gather(ref, [jnp.broadcast_to(j, (_L,))])

    def knn_point(t, pen_acc):
        ii = w * 4 + t
        cxi = splat(cxs, ii)
        cyi = splat(cys, ii)
        rii = splat(rsub, ii)

        dch = []
        for ci in range(_NCH):
            dx = cxv[ci] - cxi
            dy = cyv[ci] - cyi
            d2 = dx * dx + dy * dy
            dch.append(jnp.where(gidx[ci] < _M, d2, _INF))

        def round_body(rnd, st):
            dchs, dvec, rvec = st
            mk, mi = dchs[0], gidx[0]
            for ci in range(1, _NCH):
                mk, mi = _lex_take(mk, mi, dchs[ci], gidx[ci])
            m = jnp.min(mk)
            jstar = jnp.min(jnp.where(mk == m, mi, jnp.int32(1 << 30)))
            rstar = splat(rsub, jnp.broadcast_to(jstar, (_L,)))
            lane_hit = iota == rnd
            dvec = jnp.where(lane_hit, m, dvec)
            rvec = jnp.where(lane_hit, rstar, rvec)
            new_dchs = tuple(
                jnp.where(gidx[ci] == jstar, _INF, dchs[ci])
                for ci in range(_NCH))
            return (new_dchs, dvec, rvec)

        zeros = jnp.zeros((_L,), jnp.float32)
        _, dvec, rvec = lax.fori_loop(
            0, _K, round_body, (tuple(dch), zeros, zeros))

        sd = _vsqrt(dvec)
        fscr[...] = sd
        dmax = plsc.load_gather(fscr, [jnp.broadcast_to(jnp.int32(_K - 1),
                                                        (_L,))])
        norm = sd / (dmax + jnp.float32(1e-8))
        penv = jnp.abs(jnp.abs(rvec - rii) - norm)
        lane_ok = ((iota >= 1) & (iota < _K)).astype(jnp.float32)
        return pen_acc + penv * lane_ok

    pen_vec = lax.fori_loop(0, 4, knn_point, jnp.zeros((_L,), jnp.float32))
    pen_vec = jnp.broadcast_to(jnp.sum(pen_vec), (_L,))
    pen_gate = jnp.where(w < (_M + 3) // 4, jnp.float32(1.0), jnp.float32(0.0))

    def mse_body(j, accs):
        b = j * (_L * _UNROLL)
        out = []
        for u in range(_UNROLL):
            d = (yp_buf[pl.ds(b + u * _L, _L)]
                 - yt_buf[pl.ds(b + u * _L, _L)])
            out.append(accs[u] + d * d)
        return tuple(out)

    zeros = jnp.zeros((_L,), jnp.float32)
    cp0.wait()
    cp1.wait()
    accs = lax.fori_loop(0, _NITER, mse_body, (zeros,) * _UNROLL)
    acc = accs[0]
    for u in range(1, _UNROLL):
        acc = acc + accs[u]
    for k in range(_TAIL // _L):
        dt = tyb[pl.ds(k * _L, _L)] - ttb[pl.ds(k * _L, _L)]
        acc = acc + dt * dt

    lane0 = (iota == 0).astype(jnp.float32)
    contrib = acc * jnp.float32(0.8 / _N)
    contrib = contrib + pen_vec * lane0 * (
        pen_gate * jnp.float32(0.2 / (_M * (_K - 1))))
    orow[...] = contrib
    pltpu.sync_copy(orow, out_hbm.at[w])


_sc_kernel = functools.partial(
    pl.kernel,
    mesh=plsc.VectorSubcoreMesh(core_axis_name="c", subcore_axis_name="s"),
    compiler_params=pltpu.CompilerParams(needs_layout_passes=False),
    out_type=jax.ShapeDtypeStruct((_NW, _L), jnp.float32),
    scratch_types=[
        pltpu.VMEM((_CHUNK,), jnp.float32),
        pltpu.VMEM((_CHUNK,), jnp.float32),
        pltpu.VMEM((_TAIL,), jnp.float32),
        pltpu.VMEM((_TAIL,), jnp.float32),
        pltpu.VMEM((128,), jnp.int32),
        pltpu.VMEM((128,), jnp.float32),
        pltpu.VMEM((128,), jnp.float32),
        pltpu.VMEM((128,), jnp.float32),
        pltpu.VMEM((128,), jnp.float32),
        pltpu.VMEM((128,), jnp.float32),
        pltpu.VMEM((_L,), jnp.float32),
        pltpu.VMEM((_L,), jnp.float32),
        pltpu.SemaphoreType.DMA,
        pltpu.SemaphoreType.DMA,
        pltpu.SemaphoreType.DMA,
    ],
)(_sc_body)


def kernel(y_pred, y_true, coordinates):
    idxc = jnp.asarray(_IDX_PAD)
    cxy = coordinates[idxc].T
    partials = _sc_kernel(y_pred, y_true, cxy, idxc)
    return jnp.sum(partials)

# --- scband reference (transcript-rebuilt; emitter-appended) ---
"""Pipeline reference for scband-spatial-loss-67327907332131 (READ-ONLY COPY).

The authoritative reference and input builder live on the scoring server;
editing this copy changes nothing except your own understanding.
"""

import jax, jax.numpy as jnp
import numpy as np

MSE_WEIGHT = 0.8
SPATIAL_WEIGHT = 0.2
N = 1000000


def setup_inputs(seed: int = 0) -> dict:
    key = jax.random.key(seed)
    k1, k2, k3 = jax.random.split(key, 3)
    y_pred = jax.random.normal(k1, (N,), dtype=jnp.float32)
    y_true = jax.random.normal(k2, (N,), dtype=jnp.float32)
    coordinates = jax.random.uniform(k3, (N, 2), dtype=jnp.float32)
    return {"y_pred": y_pred, "y_true": y_true, "coordinates": coordinates}


def reference(y_pred, y_true, coordinates):
    # mse = nn.MSELoss()(y_pred, y_true)
    mse_loss = jnp.mean((y_pred - y_true) ** 2)
    residuals = y_pred - y_true
    n = residuals.shape[0]
    if n > 100:
        # torch.randperm(n)[:100] -- deterministic permutation with fixed key
        perm = jax.random.permutation(jax.random.key(42), n)[:100]
        sub_coords = coordinates[perm]
        sub_residuals = residuals[perm]
        m = 100
    else:
        sub_coords = coordinates
        sub_residuals = residuals
        m = n
    k = min(11, m)

    def per_point(ci, ri):
        dists = jnp.sqrt(jnp.sum((sub_coords - ci) ** 2, axis=1))
        # torch.topk(dists, k, largest=False) -> k smallest, ascending
        _, idx = jax.lax.top_k(-dists, k)
        idx = idx[1:]  # drop self (distance 0)
        res_diffs = jnp.abs(sub_residuals[idx] - ri)
        norm_dists = dists[idx] / (jnp.max(dists[idx]) + 1e-08)
        return jnp.mean(jnp.abs(res_diffs - norm_dists))

    penalties = jax.vmap(per_point)(sub_coords, sub_residuals)
    spatial_penalty = jnp.sum(penalties) / m
    total_loss = MSE_WEIGHT * mse_loss + SPATIAL_WEIGHT * spatial_penalty
    return total_loss

if __name__ == "__main__":
    import jax
    _d = setup_inputs()
    print(jax.jit(kernel)(*tuple(_d.values())))

</pallas_src>

<mosaic_0001>
#map = affine_map<(d0, d1) -> (0)>
#map1 = affine_map<(d0, d1) -> (0, 0)>
module attributes {stable_mosaic.version = 14 : i64} {
  func.func @_sc_body(%arg0: i32, %arg1: i32, %arg2: memref<1000000xf32, #tpu.memory_space<hbm>>, %arg3: memref<1000000xf32, #tpu.memory_space<hbm>>, %arg4: memref<2x128xf32, #tpu.memory_space<hbm>>, %arg5: memref<128xi32, #tpu.memory_space<hbm>>, %arg6: memref<32x16xf32, #tpu.memory_space<hbm>>, %arg7: memref<31248xf32, #tpu.memory_space<vmem>>, %arg8: memref<31248xf32, #tpu.memory_space<vmem>>, %arg9: memref<64xf32, #tpu.memory_space<vmem>>, %arg10: memref<64xf32, #tpu.memory_space<vmem>>, %arg11: memref<128xi32, #tpu.memory_space<vmem>>, %arg12: memref<128xf32, #tpu.memory_space<vmem>>, %arg13: memref<128xf32, #tpu.memory_space<vmem>>, %arg14: memref<128xf32, #tpu.memory_space<vmem>>, %arg15: memref<128xf32, #tpu.memory_space<vmem>>, %arg16: memref<128xf32, #tpu.memory_space<vmem>>, %arg17: memref<16xf32, #tpu.memory_space<vmem>>, %arg18: memref<16xf32, #tpu.memory_space<vmem>>, %arg19: memref<!tpu.dma_semaphore, #tpu.memory_space<semaphore_mem>>, %arg20: memref<!tpu.dma_semaphore, #tpu.memory_space<semaphore_mem>>, %arg21: memref<!tpu.dma_semaphore, #tpu.memory_space<semaphore_mem>>) attributes {dimension_semantics = [#tpu.dimension_semantics<core_parallel>, #tpu.dimension_semantics<subcore_parallel>], iteration_bounds = array<i64: 2, 16>, scalar_prefetch = 0 : i64, scratch_operands = 15 : i64, tpu.core_type = #tpu.core_type<sc_vector_subcore>, window_params = [{transform_indices = #map}, {transform_indices = #map}, {transform_indices = #map1}, {transform_indices = #map}, {transform_indices = #map1}]} {
    %mul3A = arith.constant 2 : i32
    %mul3A_0 = arith.muli %arg1, %mul3A : i32
    %add3A = arith.addi %mul3A_0, %arg0 : i32
    %mul3A_1 = arith.constant 31248 : i32
    %mul3A_2 = arith.muli %add3A, %mul3A_1 : i32
    "tpu.region"() ({
      %run_scoped3A_207 = tpu.sem_alloc : memref<!tpu.dma_semaphore, #tpu.memory_space<semaphore_mem>>
      tpu.enqueue_dma source(%arg5 : memref<128xi32, #tpu.memory_space<hbm>>) target(%arg11 : memref<128xi32, #tpu.memory_space<vmem>>) target_semaphore(%run_scoped3A_207 : memref<!tpu.dma_semaphore, #tpu.memory_space<semaphore_mem>>)
      tpu.wait_dma2 semaphore(%run_scoped3A_207 : memref<!tpu.dma_semaphore, #tpu.memory_space<semaphore_mem>>) src(%arg5 : memref<128xi32, #tpu.memory_space<hbm>>) dst(%arg11 : memref<128xi32, #tpu.memory_space<vmem>>)
      tpu.yield
    }) : () -> ()
    %dma_start3A = arith.constant 0 : i32
    %dma_start3A_3 = tpu.memref_slice %arg2[%dma_start3A] : memref<1000000xf32, #tpu.memory_space<hbm>> -> memref<1000000xf32, #tpu.memory_space<hbm>>
    tpu.enqueue_indirect_dma source(%dma_start3A_3 : memref<1000000xf32, #tpu.memory_space<hbm>>) target(%arg12 : memref<128xf32, #tpu.memory_space<vmem>>) offsets(%arg11 : memref<128xi32, #tpu.memory_space<vmem>>) semaphore(%arg21 : memref<!tpu.dma_semaphore, #tpu.memory_space<semaphore_mem>>)
    %dma_start3A_4 = arith.constant 0 : i32
    %dma_start3A_5 = tpu.memref_slice %arg3[%dma_start3A_4] : memref<1000000xf32, #tpu.memory_space<hbm>> -> memref<1000000xf32, #tpu.memory_space<hbm>>
    tpu.enqueue_indirect_dma source(%dma_start3A_5 : memref<1000000xf32, #tpu.memory_space<hbm>>) target(%arg13 : memref<128xf32, #tpu.memory_space<vmem>>) offsets(%arg11 : memref<128xi32, #tpu.memory_space<vmem>>) semaphore(%arg21 : memref<!tpu.dma_semaphore, #tpu.memory_space<semaphore_mem>>)
    %run_scoped3A = arith.constant 0 : i32
    "tpu.region"() ({
      %run_scoped3A_207 = tpu.sem_alloc : memref<!tpu.dma_semaphore, #tpu.memory_space<semaphore_mem>>
      %dma_start3A_208 = arith.constant 0 : i32
      %dma_start3A_209 = tpu.memref_slice %arg4[%run_scoped3A, %dma_start3A_208] : memref<2x128xf32, #tpu.memory_space<hbm>> -> memref<1x128xf32, #tpu.memory_space<hbm>>
      %dma_start3A_210 = tpu.memref_squeeze %dma_start3A_209 : memref<1x128xf32, #tpu.memory_space<hbm>> -> memref<128xf32, #tpu.memory_space<hbm>>
      %dma_start3A_211 = arith.constant 0 : i32
      %dma_start3A_212 = tpu.memref_slice %arg4[%run_scoped3A, %dma_start3A_211] : memref<2x128xf32, #tpu.memory_space<hbm>> -> memref<1x128xf32, #tpu.memory_space<hbm>>
      %dma_start3A_213 = tpu.memref_squeeze %dma_start3A_212 : memref<1x128xf32, #tpu.memory_space<hbm>> -> memref<128xf32, #tpu.memory_space<hbm>>
      tpu.enqueue_dma source(%dma_start3A_213 : memref<128xf32, #tpu.memory_space<hbm>>) target(%arg14 : memref<128xf32, #tpu.memory_space<vmem>>) target_semaphore(%run_scoped3A_207 : memref<!tpu.dma_semaphore, #tpu.memory_space<semaphore_mem>>)
      %dma_wait3A_214 = arith.constant 0 : i32
      %dma_wait3A_215 = tpu.memref_slice %arg4[%run_scoped3A, %dma_wait3A_214] : memref<2x128xf32, #tpu.memory_space<hbm>> -> memref<1x128xf32, #tpu.memory_space<hbm>>
      %dma_wait3A_216 = tpu.memref_squeeze %dma_wait3A_215 : memref<1x128xf32, #tpu.memory_space<hbm>> -> memref<128xf32, #tpu.memory_space<hbm>>
      %dma_wait3A_217 = arith.constant 0 : i32
      %dma_wait3A_218 = tpu.memref_slice %arg4[%run_scoped3A, %dma_wait3A_217] : memref<2x128xf32, #tpu.memory_space<hbm>> -> memref<1x128xf32, #tpu.memory_space<hbm>>
      %dma_wait3A_219 = tpu.memref_squeeze %dma_wait3A_218 : memref<1x128xf32, #tpu.memory_space<hbm>> -> memref<128xf32, #tpu.memory_space<hbm>>
      tpu.wait_dma2 semaphore(%run_scoped3A_207 : memref<!tpu.dma_semaphore, #tpu.memory_space<semaphore_mem>>) src(%dma_wait3A_219 : memref<128xf32, #tpu.memory_space<hbm>>) dst(%arg14 : memref<128xf32, #tpu.memory_space<vmem>>)
      tpu.yield
    }) : () -> ()
    %run_scoped3A_6 = arith.constant 1 : i32
    "tpu.region"() ({
      %run_scoped3A_207 = tpu.sem_alloc : memref<!tpu.dma_semaphore, #tpu.memory_space<semaphore_mem>>
      %dma_start3A_208 = arith.constant 0 : i32
      %dma_start3A_209 = tpu.memref_slice %arg4[%run_scoped3A_6, %dma_start3A_208] : memref<2x128xf32, #tpu.memory_space<hbm>> -> memref<1x128xf32, #tpu.memory_space<hbm>>
      %dma_start3A_210 = tpu.memref_squeeze %dma_start3A_209 : memref<1x128xf32, #tpu.memory_space<hbm>> -> memref<128xf32, #tpu.memory_space<hbm>>
      %dma_start3A_211 = arith.constant 0 : i32
      %dma_start3A_212 = tpu.memref_slice %arg4[%run_scoped3A_6, %dma_start3A_211] : memref<2x128xf32, #tpu.memory_space<hbm>> -> memref<1x128xf32, #tpu.memory_space<hbm>>
      %dma_start3A_213 = tpu.memref_squeeze %dma_start3A_212 : memref<1x128xf32, #tpu.memory_space<hbm>> -> memref<128xf32, #tpu.memory_space<hbm>>
      tpu.enqueue_dma source(%dma_start3A_213 : memref<128xf32, #tpu.memory_space<hbm>>) target(%arg15 : memref<128xf32, #tpu.memory_space<vmem>>) target_semaphore(%run_scoped3A_207 : memref<!tpu.dma_semaphore, #tpu.memory_space<semaphore_mem>>)
      %dma_wait3A_214 = arith.constant 0 : i32
      %dma_wait3A_215 = tpu.memref_slice %arg4[%run_scoped3A_6, %dma_wait3A_214] : memref<2x128xf32, #tpu.memory_space<hbm>> -> memref<1x128xf32, #tpu.memory_space<hbm>>
      %dma_wait3A_216 = tpu.memref_squeeze %dma_wait3A_215 : memref<1x128xf32, #tpu.memory_space<hbm>> -> memref<128xf32, #tpu.memory_space<hbm>>
      %dma_wait3A_217 = arith.constant 0 : i32
      %dma_wait3A_218 = tpu.memref_slice %arg4[%run_scoped3A_6, %dma_wait3A_217] : memref<2x128xf32, #tpu.memory_space<hbm>> -> memref<1x128xf32, #tpu.memory_space<hbm>>
      %dma_wait3A_219 = tpu.memref_squeeze %dma_wait3A_218 : memref<1x128xf32, #tpu.memory_space<hbm>> -> memref<128xf32, #tpu.memory_space<hbm>>
      tpu.wait_dma2 semaphore(%run_scoped3A_207 : memref<!tpu.dma_semaphore, #tpu.memory_space<semaphore_mem>>) src(%dma_wait3A_219 : memref<128xf32, #tpu.memory_space<hbm>>) dst(%arg15 : memref<128xf32, #tpu.memory_space<vmem>>)
      tpu.yield
    }) : () -> ()
    %dma_start3A_7 = tpu.memref_slice %arg2[%mul3A_2] : memref<1000000xf32, #tpu.memory_space<hbm>> -> memref<31248xf32, #tpu.memory_space<hbm>>
    %dma_start3A_8 = tpu.memref_slice %arg2[%mul3A_2] : memref<1000000xf32, #tpu.memory_space<hbm>> -> memref<31248xf32, #tpu.memory_space<hbm>>
    tpu.enqueue_dma source(%dma_start3A_8 : memref<31248xf32, #tpu.memory_space<hbm>>) target(%arg7 : memref<31248xf32, #tpu.memory_space<vmem>>) target_semaphore(%arg19 : memref<!tpu.dma_semaphore, #tpu.memory_space<semaphore_mem>>)
    %dma_start3A_9 = tpu.memref_slice %arg3[%mul3A_2] : memref<1000000xf32, #tpu.memory_space<hbm>> -> memref<31248xf32, #tpu.memory_space<hbm>>
    %dma_start3A_10 = tpu.memref_slice %arg3[%mul3A_2] : memref<1000000xf32, #tpu.memory_space<hbm>> -> memref<31248xf32, #tpu.memory_space<hbm>>
    tpu.enqueue_dma source(%dma_start3A_10 : memref<31248xf32, #tpu.memory_space<hbm>>) target(%arg8 : memref<31248xf32, #tpu.memory_space<vmem>>) target_semaphore(%arg20 : memref<!tpu.dma_semaphore, #tpu.memory_space<semaphore_mem>>)
    %broadcast_in_dim3A = arith.constant 0.000000e+00 : f32
    %broadcast_in_dim3A_11 = vector.broadcast %broadcast_in_dim3A : f32 to vector<16xf32>
    %swap3A = arith.constant 0 : index
    %swap3A_12 = tpu.vector_load %arg9[%swap3A] {strides = array<i32>} : memref<64xf32, #tpu.memory_space<vmem>>, vector<16xf32>,
    tpu.vector_store %arg9[%swap3A], %broadcast_in_dim3A_11 {strides = array<i32>} : memref<64xf32, #tpu.memory_space<vmem>>, vector<16xf32>,
    %swap3A_13 = arith.constant 0 : index
    %swap3A_14 = tpu.vector_load %arg10[%swap3A_13] {strides = array<i32>} : memref<64xf32, #tpu.memory_space<vmem>>, vector<16xf32>,
    tpu.vector_store %arg10[%swap3A_13], %broadcast_in_dim3A_11 {strides = array<i32>} : memref<64xf32, #tpu.memory_space<vmem>>, vector<16xf32>,
    %swap3A_15 = arith.constant 16 : index
    %swap3A_16 = tpu.vector_load %arg9[%swap3A_15] {strides = array<i32>} : memref<64xf32, #tpu.memory_space<vmem>>, vector<16xf32>,
    tpu.vector_store %arg9[%swap3A_15], %broadcast_in_dim3A_11 {strides = array<i32>} : memref<64xf32, #tpu.memory_space<vmem>>, vector<16xf32>,
    %swap3A_17 = arith.constant 16 : index
    %swap3A_18 = tpu.vector_load %arg10[%swap3A_17] {strides = array<i32>} : memref<64xf32, #tpu.memory_space<vmem>>, vector<16xf32>,
    tpu.vector_store %arg10[%swap3A_17], %broadcast_in_dim3A_11 {strides = array<i32>} : memref<64xf32, #tpu.memory_space<vmem>>, vector<16xf32>,
    %swap3A_19 = arith.constant 32 : index
    %swap3A_20 = tpu.vector_load %arg9[%swap3A_19] {strides = array<i32>} : memref<64xf32, #tpu.memory_space<vmem>>, vector<16xf32>,
    tpu.vector_store %arg9[%swap3A_19], %broadcast_in_dim3A_11 {strides = array<i32>} : memref<64xf32, #tpu.memory_space<vmem>>, vector<16xf32>,
    %swap3A_21 = arith.constant 32 : index
    %swap3A_22 = tpu.vector_load %arg10[%swap3A_21] {strides = array<i32>} : memref<64xf32, #tpu.memory_space<vmem>>, vector<16xf32>,
    tpu.vector_store %arg10[%swap3A_21], %broadcast_in_dim3A_11 {strides = array<i32>} : memref<64xf32, #tpu.memory_space<vmem>>, vector<16xf32>,
    %swap3A_23 = arith.constant 48 : index
    %swap3A_24 = tpu.vector_load %arg9[%swap3A_23] {strides = array<i32>} : memref<64xf32, #tpu.memory_space<vmem>>, vector<16xf32>,
    tpu.vector_store %arg9[%swap3A_23], %broadcast_in_dim3A_11 {strides = array<i32>} : memref<64xf32, #tpu.memory_space<vmem>>, vector<16xf32>,
    %swap3A_25 = arith.constant 48 : index
    %swap3A_26 = tpu.vector_load %arg10[%swap3A_25] {strides = array<i32>} : memref<64xf32, #tpu.memory_space<vmem>>, vector<16xf32>,
    tpu.vector_store %arg10[%swap3A_25], %broadcast_in_dim3A_11 {strides = array<i32>} : memref<64xf32, #tpu.memory_space<vmem>>, vector<16xf32>,
    %eq3A = arith.constant 31 : i32
    %eq3A_27 = arith.cmpi eq, %add3A, %eq3A : i32
    %convert_element_type3A = arith.extui %eq3A_27 : i1 to i32
    %cond3A = arith.constant 0 : i32
    %cond3A_28 = arith.cmpi ne, %convert_element_type3A, %cond3A : i32
    scf.if %cond3A_28 {
      "tpu.region"() ({
        %run_scoped3A_207 = tpu.sem_alloc : memref<!tpu.dma_semaphore, #tpu.memory_space<semaphore_mem>>
        %dma_start3A_208 = arith.constant 999936 : i32
        %dma_start3A_209 = tpu.memref_slice %arg2[%dma_start3A_208] : memref<1000000xf32, #tpu.memory_space<hbm>> -> memref<64xf32, #tpu.memory_space<hbm>>
        %dma_start3A_210 = arith.constant 999936 : i32
        %dma_start3A_211 = tpu.memref_slice %arg2[%dma_start3A_210] : memref<1000000xf32, #tpu.memory_space<hbm>> -> memref<64xf32, #tpu.memory_space<hbm>>
        tpu.enqueue_dma source(%dma_start3A_211 : memref<64xf32, #tpu.memory_space<hbm>>) target(%arg9 : memref<64xf32, #tpu.memory_space<vmem>>) target_semaphore(%run_scoped3A_207 : memref<!tpu.dma_semaphore, #tpu.memory_space<semaphore_mem>>)
        %dma_wait3A_212 = arith.constant 999936 : i32
        %dma_wait3A_213 = tpu.memref_slice %arg2[%dma_wait3A_212] : memref<1000000xf32, #tpu.memory_space<hbm>> -> memref<64xf32, #tpu.memory_space<hbm>>
        %dma_wait3A_214 = arith.constant 999936 : i32
        %dma_wait3A_215 = tpu.memref_slice %arg2[%dma_wait3A_214] : memref<1000000xf32, #tpu.memory_space<hbm>> -> memref<64xf32, #tpu.memory_space<hbm>>
        tpu.wait_dma2 semaphore(%run_scoped3A_207 : memref<!tpu.dma_semaphore, #tpu.memory_space<semaphore_mem>>) src(%dma_wait3A_215 : memref<64xf32, #tpu.memory_space<hbm>>) dst(%arg9 : memref<64xf32, #tpu.memory_space<vmem>>)
        tpu.yield
      }) : () -> ()
      "tpu.region"() ({
        %run_scoped3A_207 = tpu.sem_alloc : memref<!tpu.dma_semaphore, #tpu.memory_space<semaphore_mem>>
        %dma_start3A_208 = arith.constant 999936 : i32
        %dma_start3A_209 = tpu.memref_slice %arg3[%dma_start3A_208] : memref<1000000xf32, #tpu.memory_space<hbm>> -> memref<64xf32, #tpu.memory_space<hbm>>
        %dma_start3A_210 = arith.constant 999936 : i32
        %dma_start3A_211 = tpu.memref_slice %arg3[%dma_start3A_210] : memref<1000000xf32, #tpu.memory_space<hbm>> -> memref<64xf32, #tpu.memory_space<hbm>>
        tpu.enqueue_dma source(%dma_start3A_211 : memref<64xf32, #tpu.memory_space<hbm>>) target(%arg10 : memref<64xf32, #tpu.memory_space<vmem>>) target_semaphore(%run_scoped3A_207 : memref<!tpu.dma_semaphore, #tpu.memory_space<semaphore_mem>>)
        %dma_wait3A_212 = arith.constant 999936 : i32
        %dma_wait3A_213 = tpu.memref_slice %arg3[%dma_wait3A_212] : memref<1000000xf32, #tpu.memory_space<hbm>> -> memref<64xf32, #tpu.memory_space<hbm>>
        %dma_wait3A_214 = arith.constant 999936 : i32
        %dma_wait3A_215 = tpu.memref_slice %arg3[%dma_wait3A_214] : memref<1000000xf32, #tpu.memory_space<hbm>> -> memref<64xf32, #tpu.memory_space<hbm>>
        tpu.wait_dma2 semaphore(%run_scoped3A_207 : memref<!tpu.dma_semaphore, #tpu.memory_space<semaphore_mem>>) src(%dma_wait3A_215 : memref<64xf32, #tpu.memory_space<hbm>>) dst(%arg10 : memref<64xf32, #tpu.memory_space<vmem>>)
        tpu.yield
      }) : () -> ()
    } else {
    }
    %dma_wait3A = arith.constant 0 : i32
    %dma_wait3A_29 = tpu.memref_slice %arg2[%dma_wait3A] : memref<1000000xf32, #tpu.memory_space<hbm>> -> memref<1000000xf32, #tpu.memory_space<hbm>>
    tpu.wait_indirect_dma semaphore(%arg21 : memref<!tpu.dma_semaphore, #tpu.memory_space<semaphore_mem>>) src(%dma_wait3A_29 : memref<1000000xf32, #tpu.memory_space<hbm>>) dst(%arg12 : memref<128xf32, #tpu.memory_space<vmem>>)
    %dma_wait3A_30 = arith.constant 0 : i32
    %dma_wait3A_31 = tpu.memref_slice %arg3[%dma_wait3A_30] : memref<1000000xf32, #tpu.memory_space<hbm>> -> memref<1000000xf32, #tpu.memory_space<hbm>>
    tpu.wait_indirect_dma semaphore(%arg21 : memref<!tpu.dma_semaphore, #tpu.memory_space<semaphore_mem>>) src(%dma_wait3A_31 : memref<1000000xf32, #tpu.memory_space<hbm>>) dst(%arg13 : memref<128xf32, #tpu.memory_space<vmem>>)
    %iota3A = tpu.iota {dimensions = array<i32: 0>} : vector<16xi32>
    %get3A = arith.constant 0 : index
    %get3A_32 = tpu.vector_load %arg12[%get3A] {strides = array<i32>} : memref<128xf32, #tpu.memory_space<vmem>>, vector<16xf32>,
    %get3A_33 = arith.constant 0 : index
    %get3A_34 = tpu.vector_load %arg13[%get3A_33] {strides = array<i32>} : memref<128xf32, #tpu.memory_space<vmem>>, vector<16xf32>,
    %sub3A = arith.subf %get3A_32, %get3A_34 : vector<16xf32>
    %swap3A_35 = arith.constant 0 : index
    %swap3A_36 = tpu.vector_load %arg16[%swap3A_35] {strides = array<i32>} : memref<128xf32, #tpu.memory_space<vmem>>, vector<16xf32>,
    tpu.vector_store %arg16[%swap3A_35], %sub3A {strides = array<i32>} : memref<128xf32, #tpu.memory_space<vmem>>, vector<16xf32>,
    %add3A_37 = arith.constant 0 : i32
    %add3A_38 = vector.broadcast %add3A_37 : i32 to vector<16xi32>
    %add3A_39 = arith.addi %iota3A, %add3A_38 : vector<16xi32>
    %get3A_40 = arith.constant 0 : index
    %get3A_41 = tpu.vector_load %arg14[%get3A_40] {strides = array<i32>} : memref<128xf32, #tpu.memory_space<vmem>>, vector<16xf32>,
    %get3A_42 = arith.constant 0 : index
    %get3A_43 = tpu.vector_load %arg15[%get3A_42] {strides = array<i32>} : memref<128xf32, #tpu.memory_space<vmem>>, vector<16xf32>,
    %get3A_44 = arith.constant 16 : index
    %get3A_45 = tpu.vector_load %arg12[%get3A_44] {strides = array<i32>} : memref<128xf32, #tpu.memory_space<vmem>>, vector<16xf32>,
    %get3A_46 = arith.constant 16 : index
    %get3A_47 = tpu.vector_load %arg13[%get3A_46] {strides = array<i32>} : memref<128xf32, #tpu.memory_space<vmem>>, vector<16xf32>,
    %sub3A_48 = arith.subf %get3A_45, %get3A_47 : vector<16xf32>
    %swap3A_49 = arith.constant 16 : index
    %swap3A_50 = tpu.vector_load %arg16[%swap3A_49] {strides = array<i32>} : memref<128xf32, #tpu.memory_space<vmem>>, vector<16xf32>,
    tpu.vector_store %arg16[%swap3A_49], %sub3A_48 {strides = array<i32>} : memref<128xf32, #tpu.memory_space<vmem>>, vector<16xf32>,
    %add3A_51 = arith.constant 16 : i32
    %add3A_52 = vector.broadcast %add3A_51 : i32 to vector<16xi32>
    %add3A_53 = arith.addi %iota3A, %add3A_52 : vector<16xi32>
    %get3A_54 = arith.constant 16 : index
    %get3A_55 = tpu.vector_load %arg14[%get3A_54] {strides = array<i32>} : memref<128xf32, #tpu.memory_space<vmem>>, vector<16xf32>,
    %get3A_56 = arith.constant 16 : index
    %get3A_57 = tpu.vector_load %arg15[%get3A_56] {strides = array<i32>} : memref<128xf32, #tpu.memory_space<vmem>>, vector<16xf32>,
    %get3A_58 = arith.constant 32 : index
    %get3A_59 = tpu.vector_load %arg12[%get3A_58] {strides = array<i32>} : memref<128xf32, #tpu.memory_space<vmem>>, vector<16xf32>,
    %get3A_60 = arith.constant 32 : index
    %get3A_61 = tpu.vector_load %arg13[%get3A_60] {strides = array<i32>} : memref<128xf32, #tpu.memory_space<vmem>>, vector<16xf32>,
    %sub3A_62 = arith.subf %get3A_59, %get3A_61 : vector<16xf32>
    %swap3A_63 = arith.constant 32 : index
    %swap3A_64 = tpu.vector_load %arg16[%swap3A_63] {strides = array<i32>} : memref<128xf32, #tpu.memory_space<vmem>>, vector<16xf32>,
    tpu.vector_store %arg16[%swap3A_63], %sub3A_62 {strides = array<i32>} : memref<128xf32, #tpu.memory_space<vmem>>, vector<16xf32>,
    %add3A_65 = arith.constant 32 : i32
    %add3A_66 = vector.broadcast %add3A_65 : i32 to vector<16xi32>
    %add3A_67 = arith.addi %iota3A, %add3A_66 : vector<16xi32>
    %get3A_68 = arith.constant 32 : index
    %get3A_69 = tpu.vector_load %arg14[%get3A_68] {strides = array<i32>} : memref<128xf32, #tpu.memory_space<vmem>>, vector<16xf32>,
    %get3A_70 = arith.constant 32 : index
    %get3A_71 = tpu.vector_load %arg15[%get3A_70] {strides = array<i32>} : memref<128xf32, #tpu.memory_space<vmem>>, vector<16xf32>,
    %get3A_72 = arith.constant 48 : index
    %get3A_73 = tpu.vector_load %arg12[%get3A_72] {strides = array<i32>} : memref<128xf32, #tpu.memory_space<vmem>>, vector<16xf32>,
    %get3A_74 = arith.constant 48 : index
    %get3A_75 = tpu.vector_load %arg13[%get3A_74] {strides = array<i32>} : memref<128xf32, #tpu.memory_space<vmem>>, vector<16xf32>,
    %sub3A_76 = arith.subf %get3A_73, %get3A_75 : vector<16xf32>
    %swap3A_77 = arith.constant 48 : index
    %swap3A_78 = tpu.vector_load %arg16[%swap3A_77] {strides = array<i32>} : memref<128xf32, #tpu.memory_space<vmem>>, vector<16xf32>,
    tpu.vector_store %arg16[%swap3A_77], %sub3A_76 {strides = array<i32>} : memref<128xf32, #tpu.memory_space<vmem>>, vector<16xf32>,
    %add3A_79 = arith.constant 48 : i32
    %add3A_80 = vector.broadcast %add3A_79 : i32 to vector<16xi32>
    %add3A_81 = arith.addi %iota3A, %add3A_80 : vector<16xi32>
    %get3A_82 = arith.constant 48 : index
    %get3A_83 = tpu.vector_load %arg14[%get3A_82] {strides = array<i32>} : memref<128xf32, #tpu.memory_space<vmem>>, vector<16xf32>,
    %get3A_84 = arith.constant 48 : index
    %get3A_85 = tpu.vector_load %arg15[%get3A_84] {strides = array<i32>} : memref<128xf32, #tpu.memory_space<vmem>>, vector<16xf32>,
    %get3A_86 = arith.constant 64 : index
    %get3A_87 = tpu.vector_load %arg12[%get3A_86] {strides = array<i32>} : memref<128xf32, #tpu.memory_space<vmem>>, vector<16xf32>,
    %get3A_88 = arith.constant 64 : index
    %get3A_89 = tpu.vector_load %arg13[%get3A_88] {strides = array<i32>} : memref<128xf32, #tpu.memory_space<vmem>>, vector<16xf32>,
    %sub3A_90 = arith.subf %get3A_87, %get3A_89 : vector<16xf32>
    %swap3A_91 = arith.constant 64 : index
    %swap3A_92 = tpu.vector_load %arg16[%swap3A_91] {strides = array<i32>} : memref<128xf32, #tpu.memory_space<vmem>>, vector<16xf32>,
    tpu.vector_store %arg16[%swap3A_91], %sub3A_90 {strides = array<i32>} : memref<128xf32, #tpu.memory_space<vmem>>, vector<16xf32>,
    %add3A_93 = arith.constant 64 : i32
    %add3A_94 = vector.broadcast %add3A_93 : i32 to vector<16xi32>
    %add3A_95 = arith.addi %iota3A, %add3A_94 : vector<16xi32>
    %get3A_96 = arith.constant 64 : index
    %get3A_97 = tpu.vector_load %arg14[%get3A_96] {strides = array<i32>} : memref<128xf32, #tpu.memory_space<vmem>>, vector<16xf32>,
    %get3A_98 = arith.constant 64 : index
    %get3A_99 = tpu.vector_load %arg15[%get3A_98] {strides = array<i32>} : memref<128xf32, #tpu.memory_space<vmem>>, vector<16xf32>,
    %get3A_100 = arith.constant 80 : index
    %get3A_101 = tpu.vector_load %arg12[%get3A_100] {strides = array<i32>} : memref<128xf32, #tpu.memory_space<vmem>>, vector<16xf32>,
    %get3A_102 = arith.constant 80 : index
    %get3A_103 = tpu.vector_load %arg13[%get3A_102] {strides = array<i32>} : memref<128xf32, #tpu.memory_space<vmem>>, vector<16xf32>,
    %sub3A_104 = arith.subf %get3A_101, %get3A_103 : vector<16xf32>
    %swap3A_105 = arith.constant 80 : index
    %swap3A_106 = tpu.vector_load %arg16[%swap3A_105] {strides = array<i32>} : memref<128xf32, #tpu.memory_space<vmem>>, vector<16xf32>,
    tpu.vector_store %arg16[%swap3A_105], %sub3A_104 {strides = array<i32>} : memref<128xf32, #tpu.memory_space<vmem>>, vector<16xf32>,
    %add3A_107 = arith.constant 80 : i32
    %add3A_108 = vector.broadcast %add3A_107 : i32 to vector<16xi32>
    %add3A_109 = arith.addi %iota3A, %add3A_108 : vector<16xi32>
    %get3A_110 = arith.constant 80 : index
    %get3A_111 = tpu.vector_load %arg14[%get3A_110] {strides = array<i32>} : memref<128xf32, #tpu.memory_space<vmem>>, vector<16xf32>,
    %get3A_112 = arith.constant 80 : index
    %get3A_113 = tpu.vector_load %arg15[%get3A_112] {strides = array<i32>} : memref<128xf32, #tpu.memory_space<vmem>>, vector<16xf32>,
    %get3A_114 = arith.constant 96 : index
    %get3A_115 = tpu.vector_load %arg12[%get3A_114] {strides = array<i32>} : memref<128xf32, #tpu.memory_space<vmem>>, vector<16xf32>,
    %get3A_116 = arith.constant 96 : index
    %get3A_117 = tpu.vector_load %arg13[%get3A_116] {strides = array<i32>} : memref<128xf32, #tpu.memory_space<vmem>>, vector<16xf32>,
    %sub3A_118 = arith.subf %get3A_115, %get3A_117 : vector<16xf32>
    %swap3A_119 = arith.constant 96 : index
    %swap3A_120 = tpu.vector_load %arg16[%swap3A_119] {strides = array<i32>} : memref<128xf32, #tpu.memory_space<vmem>>, vector<16xf32>,
    tpu.vector_store %arg16[%swap3A_119], %sub3A_118 {strides = array<i32>} : memref<128xf32, #tpu.memory_space<vmem>>, vector<16xf32>,
    %add3A_121 = arith.constant 96 : i32
    %add3A_122 = vector.broadcast %add3A_121 : i32 to vector<16xi32>
    %add3A_123 = arith.addi %iota3A, %add3A_122 : vector<16xi32>
    %get3A_124 = arith.constant 96 : index
    %get3A_125 = tpu.vector_load %arg14[%get3A_124] {strides = array<i32>} : memref<128xf32, #tpu.memory_space<vmem>>, vector<16xf32>,
    %get3A_126 = arith.constant 96 : index
    %get3A_127 = tpu.vector_load %arg15[%get3A_126] {strides = array<i32>} : memref<128xf32, #tpu.memory_space<vmem>>, vector<16xf32>,
    %swap3A_128 = arith.constant 112 : index
    %swap3A_129 = tpu.vector_load %arg16[%swap3A_128] {strides = array<i32>} : memref<128xf32, #tpu.memory_space<vmem>>, vector<16xf32>,
    tpu.vector_store %arg16[%swap3A_128], %broadcast_in_dim3A_11 {strides = array<i32>} : memref<128xf32, #tpu.memory_space<vmem>>, vector<16xf32>,
    %broadcast_in_dim3A_130 = arith.constant 0.000000e+00 : f32
    %broadcast_in_dim3A_131 = vector.broadcast %broadcast_in_dim3A_130 : f32 to vector<16xf32>
    %scan3A = arith.constant 0 : i32
    %scan3A_132 = arith.constant 4 : i32
    %scan3A_133 = arith.addi %scan3A, %scan3A_132 : i32
    %scan3A_134 = arith.constant 1 : i32
    %scan3A_135 = scf.for %scan3A_207 = %scan3A to %scan3A_133 step %scan3A_134 iter_args(%scan3A_208 = %broadcast_in_dim3A_131) -> (vector<16xf32>)  : i32 {
      %mul3A_209 = arith.constant 4 : i32
      %mul3A_210 = arith.muli %add3A, %mul3A_209 : i32
      %add3A_211 = arith.addi %mul3A_210, %scan3A_207 : i32
      %broadcast_in_dim3A_212 = vector.broadcast %add3A_211 : i32 to vector<16xi32>
      %gather3A = tpu.vector_load_idx %arg14[%broadcast_in_dim3A_212] : memref<128xf32, #tpu.memory_space<vmem>>[vector<16xi32>], vector<16xf32>,
      %broadcast_in_dim3A_213 = vector.broadcast %add3A_211 : i32 to vector<16xi32>
      %gather3A_214 = tpu.vector_load_idx %arg15[%broadcast_in_dim3A_213] : memref<128xf32, #tpu.memory_space<vmem>>[vector<16xi32>], vector<16xf32>,
      %broadcast_in_dim3A_215 = vector.broadcast %add3A_211 : i32 to vector<16xi32>
      %gather3A_216 = tpu.vector_load_idx %arg16[%broadcast_in_dim3A_215] : memref<128xf32, #tpu.memory_space<vmem>>[vector<16xi32>], vector<16xf32>,
      %sub3A_217 = arith.subf %get3A_41, %gather3A : vector<16xf32>
      %sub3A_218 = arith.subf %get3A_43, %gather3A_214 : vector<16xf32>
      %mul3A_219 = arith.mulf %sub3A_217, %sub3A_217 : vector<16xf32>
      %mul3A_220 = arith.mulf %sub3A_218, %sub3A_218 : vector<16xf32>
      %add3A_221 = arith.addf %mul3A_219, %mul3A_220 : vector<16xf32>
      %lt3A_222 = arith.constant 100 : i32
      %lt3A_223 = vector.broadcast %lt3A_222 : i32 to vector<16xi32>
      %lt3A_224 = arith.cmpi slt, %add3A_39, %lt3A_223 : vector<16xi32>
      %jit3A_225 = arith.constant 0x7F800000 : f32
      %broadcast_in_dim3A_226 = vector.broadcast %jit3A_225 : f32 to vector<16xf32>
      %select_n3A_227 = arith.select %lt3A_224, %add3A_221, %broadcast_in_dim3A_226 : vector<16xi1>, vector<16xf32>
      %sub3A_228 = arith.subf %get3A_55, %gather3A : vector<16xf32>
      %sub3A_229 = arith.subf %get3A_57, %gather3A_214 : vector<16xf32>
      %mul3A_230 = arith.mulf %sub3A_228, %sub3A_228 : vector<16xf32>
      %mul3A_231 = arith.mulf %sub3A_229, %sub3A_229 : vector<16xf32>
      %add3A_232 = arith.addf %mul3A_230, %mul3A_231 : vector<16xf32>
      %lt3A_233 = arith.constant 100 : i32
      %lt3A_234 = vector.broadcast %lt3A_233 : i32 to vector<16xi32>
      %lt3A_235 = arith.cmpi slt, %add3A_53, %lt3A_234 : vector<16xi32>
      %jit3A_236 = arith.constant 0x7F800000 : f32
      %broadcast_in_dim3A_237 = vector.broadcast %jit3A_236 : f32 to vector<16xf32>
      %select_n3A_238 = arith.select %lt3A_235, %add3A_232, %broadcast_in_dim3A_237 : vector<16xi1>, vector<16xf32>
      %sub3A_239 = arith.subf %get3A_69, %gather3A : vector<16xf32>
      %sub3A_240 = arith.subf %get3A_71, %gather3A_214 : vector<16xf32>
      %mul3A_241 = arith.mulf %sub3A_239, %sub3A_239 : vector<16xf32>
      %mul3A_242 = arith.mulf %sub3A_240, %sub3A_240 : vector<16xf32>
      %add3A_243 = arith.addf %mul3A_241, %mul3A_242 : vector<16xf32>
      %lt3A_244 = arith.constant 100 : i32
      %lt3A_245 = vector.broadcast %lt3A_244 : i32 to vector<16xi32>
      %lt3A_246 = arith.cmpi slt, %add3A_67, %lt3A_245 : vector<16xi32>
      %jit3A_247 = arith.constant 0x7F800000 : f32
      %broadcast_in_dim3A_248 = vector.broadcast %jit3A_247 : f32 to vector<16xf32>
      %select_n3A_249 = arith.select %lt3A_246, %add3A_243, %broadcast_in_dim3A_248 : vector<16xi1>, vector<16xf32>
      %sub3A_250 = arith.subf %get3A_83, %gather3A : vector<16xf32>
      %sub3A_251 = arith.subf %get3A_85, %gather3A_214 : vector<16xf32>
      %mul3A_252 = arith.mulf %sub3A_250, %sub3A_250 : vector<16xf32>
      %mul3A_253 = arith.mulf %sub3A_251, %sub3A_251 : vector<16xf32>
      %add3A_254 = arith.addf %mul3A_252, %mul3A_253 : vector<16xf32>
      %lt3A_255 = arith.constant 100 : i32
      %lt3A_256 = vector.broadcast %lt3A_255 : i32 to vector<16xi32>
      %lt3A_257 = arith.cmpi slt, %add3A_81, %lt3A_256 : vector<16xi32>
      %jit3A_258 = arith.constant 0x7F800000 : f32
      %broadcast_in_dim3A_259 = vector.broadcast %jit3A_258 : f32 to vector<16xf32>
      %select_n3A_260 = arith.select %lt3A_257, %add3A_254, %broadcast_in_dim3A_259 : vector<16xi1>, vector<16xf32>
      %sub3A_261 = arith.subf %get3A_97, %gather3A : vector<16xf32>
      %sub3A_262 = arith.subf %get3A_99, %gather3A_214 : vector<16xf32>
      %mul3A_263 = arith.mulf %sub3A_261, %sub3A_261 : vector<16xf32>
      %mul3A_264 = arith.mulf %sub3A_262, %sub3A_262 : vector<16xf32>
      %add3A_265 = arith.addf %mul3A_263, %mul3A_264 : vector<16xf32>
      %lt3A_266 = arith.constant 100 : i32
      %lt3A_267 = vector.broadcast %lt3A_266 : i32 to vector<16xi32>
      %lt3A_268 = arith.cmpi slt, %add3A_95, %lt3A_267 : vector<16xi32>
      %jit3A_269 = arith.constant 0x7F800000 : f32
      %broadcast_in_dim3A_270 = vector.broadcast %jit3A_269 : f32 to vector<16xf32>
      %select_n3A_271 = arith.select %lt3A_268, %add3A_265, %broadcast_in_dim3A_270 : vector<16xi1>, vector<16xf32>
      %sub3A_272 = arith.subf %get3A_111, %gather3A : vector<16xf32>
      %sub3A_273 = arith.subf %get3A_113, %gather3A_214 : vector<16xf32>
      %mul3A_274 = arith.mulf %sub3A_272, %sub3A_272 : vector<16xf32>
      %mul3A_275 = arith.mulf %sub3A_273, %sub3A_273 : vector<16xf32>
      %add3A_276 = arith.addf %mul3A_274, %mul3A_275 : vector<16xf32>
      %lt3A_277 = arith.constant 100 : i32
      %lt3A_278 = vector.broadcast %lt3A_277 : i32 to vector<16xi32>
      %lt3A_279 = arith.cmpi slt, %add3A_109, %lt3A_278 : vector<16xi32>
      %jit3A_280 = arith.constant 0x7F800000 : f32
      %broadcast_in_dim3A_281 = vector.broadcast %jit3A_280 : f32 to vector<16xf32>
      %select_n3A_282 = arith.select %lt3A_279, %add3A_276, %broadcast_in_dim3A_281 : vector<16xi1>, vector<16xf32>
      %sub3A_283 = arith.subf %get3A_125, %gather3A : vector<16xf32>
      %sub3A_284 = arith.subf %get3A_127, %gather3A_214 : vector<16xf32>
      %mul3A_285 = arith.mulf %sub3A_283, %sub3A_283 : vector<16xf32>
      %mul3A_286 = arith.mulf %sub3A_284, %sub3A_284 : vector<16xf32>
      %add3A_287 = arith.addf %mul3A_285, %mul3A_286 : vector<16xf32>
      %lt3A_288 = arith.constant 100 : i32
      %lt3A_289 = vector.broadcast %lt3A_288 : i32 to vector<16xi32>
      %lt3A_290 = arith.cmpi slt, %add3A_123, %lt3A_289 : vector<16xi32>
      %jit3A_291 = arith.constant 0x7F800000 : f32
      %broadcast_in_dim3A_292 = vector.broadcast %jit3A_291 : f32 to vector<16xf32>
      %select_n3A_293 = arith.select %lt3A_290, %add3A_287, %broadcast_in_dim3A_292 : vector<16xi1>, vector<16xf32>
      %broadcast_in_dim3A_294 = arith.constant 0.000000e+00 : f32
      %broadcast_in_dim3A_295 = vector.broadcast %broadcast_in_dim3A_294 : f32 to vector<16xf32>
      %scan3A_296 = arith.constant 0 : i32
      %scan3A_297 = arith.constant 11 : i32
      %scan3A_298 = arith.addi %scan3A_296, %scan3A_297 : i32
      %scan3A_299 = arith.constant 1 : i32
      %scan3A_300:9 = scf.for %scan3A_343 = %scan3A_296 to %scan3A_298 step %scan3A_299 iter_args(%scan3A_344 = %select_n3A_227, %scan3A_345 = %select_n3A_238, %scan3A_346 = %select_n3A_249, %scan3A_347 = %select_n3A_260, %scan3A_348 = %select_n3A_271, %scan3A_349 = %select_n3A_282, %scan3A_350 = %select_n3A_293, %scan3A_351 = %broadcast_in_dim3A_295, %scan3A_352 = %broadcast_in_dim3A_295) -> (vector<16xf32>, vector<16xf32>, vector<16xf32>, vector<16xf32>, vector<16xf32>, vector<16xf32>, vector<16xf32>, vector<16xf32>, vector<16xf32>)  : i32 {
        %lt3A_353 = arith.cmpf olt, %scan3A_345, %scan3A_344 : vector<16xf32>
        %eq3A_354 = arith.cmpf oeq, %scan3A_345, %scan3A_344 : vector<16xf32>
        %lt3A_355 = arith.cmpi slt, %add3A_53, %add3A_39 : vector<16xi32>
        %and3A_356 = arith.andi %eq3A_354, %lt3A_355 : vector<16xi1>
        %or3A = arith.ori %lt3A_353, %and3A_356 : vector<16xi1>
        %select_n3A_357 = arith.select %or3A, %scan3A_345, %scan3A_344 : vector<16xi1>, vector<16xf32>
        %select_n3A_358 = arith.select %or3A, %add3A_53, %add3A_39 : vector<16xi1>, vector<16xi32>
        %lt3A_359 = arith.cmpf olt, %scan3A_346, %select_n3A_357 : vector<16xf32>
        %eq3A_360 = arith.cmpf oeq, %scan3A_346, %select_n3A_357 : vector<16xf32>
        %lt3A_361 = arith.cmpi slt, %add3A_67, %select_n3A_358 : vector<16xi32>
        %and3A_362 = arith.andi %eq3A_360, %lt3A_361 : vector<16xi1>
        %or3A_363 = arith.ori %lt3A_359, %and3A_362 : vector<16xi1>
        %select_n3A_364 = arith.select %or3A_363, %scan3A_346, %select_n3A_357 : vector<16xi1>, vector<16xf32>
        %select_n3A_365 = arith.select %or3A_363, %add3A_67, %select_n3A_358 : vector<16xi1>, vector<16xi32>
        %lt3A_366 = arith.cmpf olt, %scan3A_347, %select_n3A_364 : vector<16xf32>
        %eq3A_367 = arith.cmpf oeq, %scan3A_347, %select_n3A_364 : vector<16xf32>
        %lt3A_368 = arith.cmpi slt, %add3A_81, %select_n3A_365 : vector<16xi32>
        %and3A_369 = arith.andi %eq3A_367, %lt3A_368 : vector<16xi1>
        %or3A_370 = arith.ori %lt3A_366, %and3A_369 : vector<16xi1>
        %select_n3A_371 = arith.select %or3A_370, %scan3A_347, %select_n3A_364 : vector<16xi1>, vector<16xf32>
        %select_n3A_372 = arith.select %or3A_370, %add3A_81, %select_n3A_365 : vector<16xi1>, vector<16xi32>
        %lt3A_373 = arith.cmpf olt, %scan3A_348, %select_n3A_371 : vector<16xf32>
        %eq3A_374 = arith.cmpf oeq, %scan3A_348, %select_n3A_371 : vector<16xf32>
        %lt3A_375 = arith.cmpi slt, %add3A_95, %select_n3A_372 : vector<16xi32>
        %and3A_376 = arith.andi %eq3A_374, %lt3A_375 : vector<16xi1>
        %or3A_377 = arith.ori %lt3A_373, %and3A_376 : vector<16xi1>
        %select_n3A_378 = arith.select %or3A_377, %scan3A_348, %select_n3A_371 : vector<16xi1>, vector<16xf32>
        %select_n3A_379 = arith.select %or3A_377, %add3A_95, %select_n3A_372 : vector<16xi1>, vector<16xi32>
        %lt3A_380 = arith.cmpf olt, %scan3A_349, %select_n3A_378 : vector<16xf32>
        %eq3A_381 = arith.cmpf oeq, %scan3A_349, %select_n3A_378 : vector<16xf32>
        %lt3A_382 = arith.cmpi slt, %add3A_109, %select_n3A_379 : vector<16xi32>
        %and3A_383 = arith.andi %eq3A_381, %lt3A_382 : vector<16xi1>
        %or3A_384 = arith.ori %lt3A_380, %and3A_383 : vector<16xi1>
        %select_n3A_385 = arith.select %or3A_384, %scan3A_349, %select_n3A_378 : vector<16xi1>, vector<16xf32>
        %select_n3A_386 = arith.select %or3A_384, %add3A_109, %select_n3A_379 : vector<16xi1>, vector<16xi32>
        %lt3A_387 = arith.cmpf olt, %scan3A_350, %select_n3A_385 : vector<16xf32>
        %eq3A_388 = arith.cmpf oeq, %scan3A_350, %select_n3A_385 : vector<16xf32>
        %lt3A_389 = arith.cmpi slt, %add3A_123, %select_n3A_386 : vector<16xi32>
        %and3A_390 = arith.andi %eq3A_388, %lt3A_389 : vector<16xi1>
        %or3A_391 = arith.ori %lt3A_387, %and3A_390 : vector<16xi1>
        %select_n3A_392 = arith.select %or3A_391, %scan3A_350, %select_n3A_385 : vector<16xi1>, vector<16xf32>
        %select_n3A_393 = arith.select %or3A_391, %add3A_123, %select_n3A_386 : vector<16xi1>, vector<16xi32>
        %reduce_min3A = arith.constant true
        %reduce_min3A_394 = vector.broadcast %reduce_min3A : i1 to vector<16xi1>
        %reduce_min3A_395 = tpu.scan <min>, %select_n3A_392 masked %reduce_min3A_394 : vector<16xf32>, vector<16xi1> -> vector<16xf32>
        %reduce_min3A_396 = vector.extract %reduce_min3A_395[15] : f32 from vector<16xf32>
        %eq3A_397 = vector.broadcast %reduce_min3A_396 : f32 to vector<16xf32>
        %eq3A_398 = arith.cmpf oeq, %select_n3A_392, %eq3A_397 : vector<16xf32>
        %jit3A_399 = arith.constant 1073741824 : i32
        %broadcast_in_dim3A_400 = vector.broadcast %jit3A_399 : i32 to vector<16xi32>
        %select_n3A_401 = arith.select %eq3A_398, %select_n3A_393, %broadcast_in_dim3A_400 : vector<16xi1>, vector<16xi32>
        %reduce_min3A_402 = arith.constant true
        %reduce_min3A_403 = vector.broadcast %reduce_min3A_402 : i1 to vector<16xi1>
        %reduce_min3A_404 = arith.constant -2147483648 : i32
        %reduce_min3A_405 = vector.broadcast %reduce_min3A_404 : i32 to vector<16xi32>
        %reduce_min3A_406 = arith.xori %select_n3A_401, %reduce_min3A_405 : vector<16xi32>
        %reduce_min3A_407 = tpu.scan <min>, %reduce_min3A_406 masked %reduce_min3A_403 : vector<16xi32>, vector<16xi1> -> vector<16xi32>
        %reduce_min3A_408 = arith.xori %reduce_min3A_407, %reduce_min3A_405 : vector<16xi32>
        %reduce_min3A_409 = vector.extract %reduce_min3A_408[15] : i32 from vector<16xi32>
        %broadcast_in_dim3A_410 = vector.broadcast %reduce_min3A_409 : i32 to vector<16xi32>
        %gather3A_411 = tpu.vector_load_idx %arg16[%broadcast_in_dim3A_410] : memref<128xf32, #tpu.memory_space<vmem>>[vector<16xi32>], vector<16xf32>,
        %eq3A_412 = vector.broadcast %scan3A_343 : i32 to vector<16xi32>
        %eq3A_413 = arith.cmpi eq, %iota3A, %eq3A_412 : vector<16xi32>
        %broadcast_in_dim3A_414 = vector.broadcast %reduce_min3A_396 : f32 to vector<16xf32>
        %select_n3A_415 = arith.select %eq3A_413, %broadcast_in_dim3A_414, %scan3A_351 : vector<16xi1>, vector<16xf32>
        %select_n3A_416 = arith.select %eq3A_413, %gather3A_411, %scan3A_352 : vector<16xi1>, vector<16xf32>
        %eq3A_417 = vector.broadcast %reduce_min3A_409 : i32 to vector<16xi32>
        %eq3A_418 = arith.cmpi eq, %add3A_39, %eq3A_417 : vector<16xi32>
        %jit3A_419 = arith.constant 0x7F800000 : f32
        %broadcast_in_dim3A_420 = vector.broadcast %jit3A_419 : f32 to vector<16xf32>
        %select_n3A_421 = arith.select %eq3A_418, %broadcast_in_dim3A_420, %scan3A_344 : vector<16xi1>, vector<16xf32>
        %eq3A_422 = vector.broadcast %reduce_min3A_409 : i32 to vector<16xi32>
        %eq3A_423 = arith.cmpi eq, %add3A_53, %eq3A_422 : vector<16xi32>
        %jit3A_424 = arith.constant 0x7F800000 : f32
        %broadcast_in_dim3A_425 = vector.broadcast %jit3A_424 : f32 to vector<16xf32>
        %select_n3A_426 = arith.select %eq3A_423, %broadcast_in_dim3A_425, %scan3A_345 : vector<16xi1>, vector<16xf32>
        %eq3A_427 = vector.broadcast %reduce_min3A_409 : i32 to vector<16xi32>
        %eq3A_428 = arith.cmpi eq, %add3A_67, %eq3A_427 : vector<16xi32>
        %jit3A_429 = arith.constant 0x7F800000 : f32
        %broadcast_in_dim3A_430 = vector.broadcast %jit3A_429 : f32 to vector<16xf32>
        %select_n3A_431 = arith.select %eq3A_428, %broadcast_in_dim3A_430, %scan3A_346 : vector<16xi1>, vector<16xf32>
        %eq3A_432 = vector.broadcast %reduce_min3A_409 : i32 to vector<16xi32>
        %eq3A_433 = arith.cmpi eq, %add3A_81, %eq3A_432 : vector<16xi32>
        %jit3A_434 = arith.constant 0x7F800000 : f32
        %broadcast_in_dim3A_435 = vector.broadcast %jit3A_434 : f32 to vector<16xf32>
        %select_n3A_436 = arith.select %eq3A_433, %broadcast_in_dim3A_435, %scan3A_347 : vector<16xi1>, vector<16xf32>
        %eq3A_437 = vector.broadcast %reduce_min3A_409 : i32 to vector<16xi32>
        %eq3A_438 = arith.cmpi eq, %add3A_95, %eq3A_437 : vector<16xi32>
        %jit3A_439 = arith.constant 0x7F800000 : f32
        %broadcast_in_dim3A_440 = vector.broadcast %jit3A_439 : f32 to vector<16xf32>
        %select_n3A_441 = arith.select %eq3A_438, %broadcast_in_dim3A_440, %scan3A_348 : vector<16xi1>, vector<16xf32>
        %eq3A_442 = vector.broadcast %reduce_min3A_409 : i32 to vector<16xi32>
        %eq3A_443 = arith.cmpi eq, %add3A_109, %eq3A_442 : vector<16xi32>
        %jit3A_444 = arith.constant 0x7F800000 : f32
        %broadcast_in_dim3A_445 = vector.broadcast %jit3A_444 : f32 to vector<16xf32>
        %select_n3A_446 = arith.select %eq3A_443, %broadcast_in_dim3A_445, %scan3A_349 : vector<16xi1>, vector<16xf32>
        %eq3A_447 = vector.broadcast %reduce_min3A_409 : i32 to vector<16xi32>
        %eq3A_448 = arith.cmpi eq, %add3A_123, %eq3A_447 : vector<16xi32>
        %jit3A_449 = arith.constant 0x7F800000 : f32
        %broadcast_in_dim3A_450 = vector.broadcast %jit3A_449 : f32 to vector<16xf32>
        %select_n3A_451 = arith.select %eq3A_448, %broadcast_in_dim3A_450, %scan3A_350 : vector<16xi1>, vector<16xf32>
        scf.yield %select_n3A_421, %select_n3A_426, %select_n3A_431, %select_n3A_436, %select_n3A_441, %select_n3A_446, %select_n3A_451, %select_n3A_415, %select_n3A_416 : vector<16xf32>, vector<16xf32>, vector<16xf32>, vector<16xf32>, vector<16xf32>, vector<16xf32>, vector<16xf32>, vector<16xf32>, vector<16xf32>
      }
      %scan3A_301 = arith.constant 11 : i32
      %bitcast_convert_type3A = tpu.bitcast %scan3A_300#7 : vector<16xf32> -> vector<16xi32>
      %shift_right_arithmetic3A = arith.constant 1 : i32
      %shift_right_arithmetic3A_302 = vector.broadcast %shift_right_arithmetic3A : i32 to vector<16xi32>
      %shift_right_arithmetic3A_303 = arith.shrsi %bitcast_convert_type3A, %shift_right_arithmetic3A_302 : vector<16xi32>
      %add3A_304 = arith.constant 532487669 : i32
      %add3A_305 = vector.broadcast %add3A_304 : i32 to vector<16xi32>
      %add3A_306 = arith.addi %shift_right_arithmetic3A_303, %add3A_305 : vector<16xi32>
      %bitcast_convert_type3A_307 = tpu.bitcast %add3A_306 : vector<16xi32> -> vector<16xf32>
      %div3A = arith.divf %scan3A_300#7, %bitcast_convert_type3A_307 : vector<16xf32>
      %add3A_308 = arith.addf %bitcast_convert_type3A_307, %div3A : vector<16xf32>
      %mul3A_309 = arith.constant 5.000000e-01 : f32
      %mul3A_310 = vector.broadcast %mul3A_309 : f32 to vector<16xf32>
      %mul3A_311 = arith.mulf %mul3A_310, %add3A_308 : vector<16xf32>
      %div3A_312 = arith.divf %scan3A_300#7, %mul3A_311 : vector<16xf32>
      %add3A_313 = arith.addf %mul3A_311, %div3A_312 : vector<16xf32>
      %mul3A_314 = arith.constant 5.000000e-01 : f32
      %mul3A_315 = vector.broadcast %mul3A_314 : f32 to vector<16xf32>
      %mul3A_316 = arith.mulf %mul3A_315, %add3A_313 : vector<16xf32>
      %div3A_317 = arith.divf %scan3A_300#7, %mul3A_316 : vector<16xf32>
      %add3A_318 = arith.addf %mul3A_316, %div3A_317 : vector<16xf32>
      %mul3A_319 = arith.constant 5.000000e-01 : f32
      %mul3A_320 = vector.broadcast %mul3A_319 : f32 to vector<16xf32>
      %mul3A_321 = arith.mulf %mul3A_320, %add3A_318 : vector<16xf32>
      %swap3A_322 = arith.constant 0 : index
      %swap3A_323 = tpu.vector_load %arg17[%swap3A_322] {strides = array<i32>} : memref<16xf32, #tpu.memory_space<vmem>>, vector<16xf32>,
      tpu.vector_store %arg17[%swap3A_322], %mul3A_321 {strides = array<i32>} : memref<16xf32, #tpu.memory_space<vmem>>, vector<16xf32>,
      %broadcast_in_dim3A_324 = arith.constant 10 : i32
      %broadcast_in_dim3A_325 = vector.broadcast %broadcast_in_dim3A_324 : i32 to vector<16xi32>
      %gather3A_326 = tpu.vector_load_idx %arg17[%broadcast_in_dim3A_325] : memref<16xf32, #tpu.memory_space<vmem>>[vector<16xi32>], vector<16xf32>,
      %add3A_327 = arith.constant 9.99999993E-9 : f32
      %add3A_328 = vector.broadcast %add3A_327 : f32 to vector<16xf32>
      %add3A_329 = arith.addf %gather3A_326, %add3A_328 : vector<16xf32>
      %div3A_330 = arith.divf %mul3A_321, %add3A_329 : vector<16xf32>
      %sub3A_331 = arith.subf %scan3A_300#8, %gather3A_216 : vector<16xf32>
      %abs3A = math.absf %sub3A_331 : vector<16xf32>
      %sub3A_332 = arith.subf %abs3A, %div3A_330 : vector<16xf32>
      %abs3A_333 = math.absf %sub3A_332 : vector<16xf32>
      %ge3A = arith.constant 1 : i32
      %ge3A_334 = vector.broadcast %ge3A : i32 to vector<16xi32>
      %ge3A_335 = arith.cmpi sge, %iota3A, %ge3A_334 : vector<16xi32>
      %lt3A_336 = arith.constant 11 : i32
      %lt3A_337 = vector.broadcast %lt3A_336 : i32 to vector<16xi32>
      %lt3A_338 = arith.cmpi slt, %iota3A, %lt3A_337 : vector<16xi32>
      %and3A = arith.andi %ge3A_335, %lt3A_338 : vector<16xi1>
      %convert_element_type3A_339 = arith.extui %and3A : vector<16xi1> to vector<16xi32>
      %convert_element_type3A_340 = arith.sitofp %convert_element_type3A_339 : vector<16xi32> to vector<16xf32>
      %mul3A_341 = arith.mulf %abs3A_333, %convert_element_type3A_340 : vector<16xf32>
      %add3A_342 = arith.addf %scan3A_208, %mul3A_341 : vector<16xf32>
      scf.yield %add3A_342 : vector<16xf32>
    }
    %scan3A_136 = arith.constant 4 : i32
    %reduce_sum3A = arith.constant true
    %reduce_sum3A_137 = vector.broadcast %reduce_sum3A : i1 to vector<16xi1>
    %reduce_sum3A_138 = tpu.scan <sum>, %scan3A_135 masked %reduce_sum3A_137 : vector<16xf32>, vector<16xi1> -> vector<16xf32>
    %reduce_sum3A_139 = vector.extract %reduce_sum3A_138[15] : f32 from vector<16xf32>
    %broadcast_in_dim3A_140 = vector.broadcast %reduce_sum3A_139 : f32 to vector<16xf32>
    %lt3A = arith.constant 25 : i32
    %lt3A_141 = arith.cmpi slt, %add3A, %lt3A : i32
    %jit3A = arith.constant 1.000000e+00 : f32
    %jit3A_142 = arith.constant 0.000000e+00 : f32
    %select_n3A = arith.select %lt3A_141, %jit3A, %jit3A_142 : f32
    %broadcast_in_dim3A_143 = arith.constant 0.000000e+00 : f32
    %broadcast_in_dim3A_144 = vector.broadcast %broadcast_in_dim3A_143 : f32 to vector<16xf32>
    %dma_wait3A_145 = tpu.memref_slice %arg2[%mul3A_2] : memref<1000000xf32, #tpu.memory_space<hbm>> -> memref<31248xf32, #tpu.memory_space<hbm>>
    %dma_wait3A_146 = tpu.memref_slice %arg2[%mul3A_2] : memref<1000000xf32, #tpu.memory_space<hbm>> -> memref<31248xf32, #tpu.memory_space<hbm>>
    tpu.wait_dma2 semaphore(%arg19 : memref<!tpu.dma_semaphore, #tpu.memory_space<semaphore_mem>>) src(%dma_wait3A_146 : memref<31248xf32, #tpu.memory_space<hbm>>) dst(%arg7 : memref<31248xf32, #tpu.memory_space<vmem>>)
    %dma_wait3A_147 = tpu.memref_slice %arg3[%mul3A_2] : memref<1000000xf32, #tpu.memory_space<hbm>> -> memref<31248xf32, #tpu.memory_space<hbm>>
    %dma_wait3A_148 = tpu.memref_slice %arg3[%mul3A_2] : memref<1000000xf32, #tpu.memory_space<hbm>> -> memref<31248xf32, #tpu.memory_space<hbm>>
    tpu.wait_dma2 semaphore(%arg20 : memref<!tpu.dma_semaphore, #tpu.memory_space<semaphore_mem>>) src(%dma_wait3A_148 : memref<31248xf32, #tpu.memory_space<hbm>>) dst(%arg8 : memref<31248xf32, #tpu.memory_space<vmem>>)
    %scan3A_149 = arith.constant 0 : i32
    %scan3A_150 = arith.constant 217 : i32
    %scan3A_151 = arith.addi %scan3A_149, %scan3A_150 : i32
    %scan3A_152 = arith.constant 1 : i32
    %scan3A_153:9 = scf.for %scan3A_207 = %scan3A_149 to %scan3A_151 step %scan3A_152 iter_args(%scan3A_208 = %broadcast_in_dim3A_144, %scan3A_209 = %broadcast_in_dim3A_144, %scan3A_210 = %broadcast_in_dim3A_144, %scan3A_211 = %broadcast_in_dim3A_144, %scan3A_212 = %broadcast_in_dim3A_144, %scan3A_213 = %broadcast_in_dim3A_144, %scan3A_214 = %broadcast_in_dim3A_144, %scan3A_215 = %broadcast_in_dim3A_144, %scan3A_216 = %broadcast_in_dim3A_144) -> (vector<16xf32>, vector<16xf32>, vector<16xf32>, vector<16xf32>, vector<16xf32>, vector<16xf32>, vector<16xf32>, vector<16xf32>, vector<16xf32>)  : i32 {
      %mul3A_217 = arith.constant 144 : i32
      %mul3A_218 = arith.muli %scan3A_207, %mul3A_217 : i32
      %add3A_219 = arith.constant 0 : i32
      %add3A_220 = arith.addi %mul3A_218, %add3A_219 : i32
      %get3A_221 = arith.index_cast %add3A_220 : i32 to index
      %get3A_222 = tpu.vector_load %arg7[%get3A_221] {strides = array<i32>} : memref<31248xf32, #tpu.memory_space<vmem>>, vector<16xf32>,
      %add3A_223 = arith.constant 0 : i32
      %add3A_224 = arith.addi %mul3A_218, %add3A_223 : i32
      %get3A_225 = arith.index_cast %add3A_224 : i32 to index
      %get3A_226 = tpu.vector_load %arg8[%get3A_225] {strides = array<i32>} : memref<31248xf32, #tpu.memory_space<vmem>>, vector<16xf32>,
      %sub3A_227 = arith.subf %get3A_222, %get3A_226 : vector<16xf32>
      %mul3A_228 = arith.mulf %sub3A_227, %sub3A_227 : vector<16xf32>
      %add3A_229 = arith.addf %scan3A_208, %mul3A_228 : vector<16xf32>
      %add3A_230 = arith.constant 16 : i32
      %add3A_231 = arith.addi %mul3A_218, %add3A_230 : i32
      %get3A_232 = arith.index_cast %add3A_231 : i32 to index
      %get3A_233 = tpu.vector_load %arg7[%get3A_232] {strides = array<i32>} : memref<31248xf32, #tpu.memory_space<vmem>>, vector<16xf32>,
      %add3A_234 = arith.constant 16 : i32
      %add3A_235 = arith.addi %mul3A_218, %add3A_234 : i32
      %get3A_236 = arith.index_cast %add3A_235 : i32 to index
      %get3A_237 = tpu.vector_load %arg8[%get3A_236] {strides = array<i32>} : memref<31248xf32, #tpu.memory_space<vmem>>, vector<16xf32>,
      %sub3A_238 = arith.subf %get3A_233, %get3A_237 : vector<16xf32>
      %mul3A_239 = arith.mulf %sub3A_238, %sub3A_238 : vector<16xf32>
      %add3A_240 = arith.addf %scan3A_209, %mul3A_239 : vector<16xf32>
      %add3A_241 = arith.constant 32 : i32
      %add3A_242 = arith.addi %mul3A_218, %add3A_241 : i32
      %get3A_243 = arith.index_cast %add3A_242 : i32 to index
      %get3A_244 = tpu.vector_load %arg7[%get3A_243] {strides = array<i32>} : memref<31248xf32, #tpu.memory_space<vmem>>, vector<16xf32>,
      %add3A_245 = arith.constant 32 : i32
      %add3A_246 = arith.addi %mul3A_218, %add3A_245 : i32
      %get3A_247 = arith.index_cast %add3A_246 : i32 to index
      %get3A_248 = tpu.vector_load %arg8[%get3A_247] {strides = array<i32>} : memref<31248xf32, #tpu.memory_space<vmem>>, vector<16xf32>,
      %sub3A_249 = arith.subf %get3A_244, %get3A_248 : vector<16xf32>
      %mul3A_250 = arith.mulf %sub3A_249, %sub3A_249 : vector<16xf32>
      %add3A_251 = arith.addf %scan3A_210, %mul3A_250 : vector<16xf32>
      %add3A_252 = arith.constant 48 : i32
      %add3A_253 = arith.addi %mul3A_218, %add3A_252 : i32
      %get3A_254 = arith.index_cast %add3A_253 : i32 to index
      %get3A_255 = tpu.vector_load %arg7[%get3A_254] {strides = array<i32>} : memref<31248xf32, #tpu.memory_space<vmem>>, vector<16xf32>,
      %add3A_256 = arith.constant 48 : i32
      %add3A_257 = arith.addi %mul3A_218, %add3A_256 : i32
      %get3A_258 = arith.index_cast %add3A_257 : i32 to index
      %get3A_259 = tpu.vector_load %arg8[%get3A_258] {strides = array<i32>} : memref<31248xf32, #tpu.memory_space<vmem>>, vector<16xf32>,
      %sub3A_260 = arith.subf %get3A_255, %get3A_259 : vector<16xf32>
      %mul3A_261 = arith.mulf %sub3A_260, %sub3A_260 : vector<16xf32>
      %add3A_262 = arith.addf %scan3A_211, %mul3A_261 : vector<16xf32>
      %add3A_263 = arith.constant 64 : i32
      %add3A_264 = arith.addi %mul3A_218, %add3A_263 : i32
      %get3A_265 = arith.index_cast %add3A_264 : i32 to index
      %get3A_266 = tpu.vector_load %arg7[%get3A_265] {strides = array<i32>} : memref<31248xf32, #tpu.memory_space<vmem>>, vector<16xf32>,
      %add3A_267 = arith.constant 64 : i32
      %add3A_268 = arith.addi %mul3A_218, %add3A_267 : i32
      %get3A_269 = arith.index_cast %add3A_268 : i32 to index
      %get3A_270 = tpu.vector_load %arg8[%get3A_269] {strides = array<i32>} : memref<31248xf32, #tpu.memory_space<vmem>>, vector<16xf32>,
      %sub3A_271 = arith.subf %get3A_266, %get3A_270 : vector<16xf32>
      %mul3A_272 = arith.mulf %sub3A_271, %sub3A_271 : vector<16xf32>
      %add3A_273 = arith.addf %scan3A_212, %mul3A_272 : vector<16xf32>
      %add3A_274 = arith.constant 80 : i32
      %add3A_275 = arith.addi %mul3A_218, %add3A_274 : i32
      %get3A_276 = arith.index_cast %add3A_275 : i32 to index
      %get3A_277 = tpu.vector_load %arg7[%get3A_276] {strides = array<i32>} : memref<31248xf32, #tpu.memory_space<vmem>>, vector<16xf32>,
      %add3A_278 = arith.constant 80 : i32
      %add3A_279 = arith.addi %mul3A_218, %add3A_278 : i32
      %get3A_280 = arith.index_cast %add3A_279 : i32 to index
      %get3A_281 = tpu.vector_load %arg8[%get3A_280] {strides = array<i32>} : memref<31248xf32, #tpu.memory_space<vmem>>, vector<16xf32>,
      %sub3A_282 = arith.subf %get3A_277, %get3A_281 : vector<16xf32>
      %mul3A_283 = arith.mulf %sub3A_282, %sub3A_282 : vector<16xf32>
      %add3A_284 = arith.addf %scan3A_213, %mul3A_283 : vector<16xf32>
      %add3A_285 = arith.constant 96 : i32
      %add3A_286 = arith.addi %mul3A_218, %add3A_285 : i32
      %get3A_287 = arith.index_cast %add3A_286 : i32 to index
      %get3A_288 = tpu.vector_load %arg7[%get3A_287] {strides = array<i32>} : memref<31248xf32, #tpu.memory_space<vmem>>, vector<16xf32>,
      %add3A_289 = arith.constant 96 : i32
      %add3A_290 = arith.addi %mul3A_218, %add3A_289 : i32
      %get3A_291 = arith.index_cast %add3A_290 : i32 to index
      %get3A_292 = tpu.vector_load %arg8[%get3A_291] {strides = array<i32>} : memref<31248xf32, #tpu.memory_space<vmem>>, vector<16xf32>,
      %sub3A_293 = arith.subf %get3A_288, %get3A_292 : vector<16xf32>
      %mul3A_294 = arith.mulf %sub3A_293, %sub3A_293 : vector<16xf32>
      %add3A_295 = arith.addf %scan3A_214, %mul3A_294 : vector<16xf32>
      %add3A_296 = arith.constant 112 : i32
      %add3A_297 = arith.addi %mul3A_218, %add3A_296 : i32
      %get3A_298 = arith.index_cast %add3A_297 : i32 to index
      %get3A_299 = tpu.vector_load %arg7[%get3A_298] {strides = array<i32>} : memref<31248xf32, #tpu.memory_space<vmem>>, vector<16xf32>,
      %add3A_300 = arith.constant 112 : i32
      %add3A_301 = arith.addi %mul3A_218, %add3A_300 : i32
      %get3A_302 = arith.index_cast %add3A_301 : i32 to index
      %get3A_303 = tpu.vector_load %arg8[%get3A_302] {strides = array<i32>} : memref<31248xf32, #tpu.memory_space<vmem>>, vector<16xf32>,
      %sub3A_304 = arith.subf %get3A_299, %get3A_303 : vector<16xf32>
      %mul3A_305 = arith.mulf %sub3A_304, %sub3A_304 : vector<16xf32>
      %add3A_306 = arith.addf %scan3A_215, %mul3A_305 : vector<16xf32>
      %add3A_307 = arith.constant 128 : i32
      %add3A_308 = arith.addi %mul3A_218, %add3A_307 : i32
      %get3A_309 = arith.index_cast %add3A_308 : i32 to index
      %get3A_310 = tpu.vector_load %arg7[%get3A_309] {strides = array<i32>} : memref<31248xf32, #tpu.memory_space<vmem>>, vector<16xf32>,
      %add3A_311 = arith.constant 128 : i32
      %add3A_312 = arith.addi %mul3A_218, %add3A_311 : i32
      %get3A_313 = arith.index_cast %add3A_312 : i32 to index
      %get3A_314 = tpu.vector_load %arg8[%get3A_313] {strides = array<i32>} : memref<31248xf32, #tpu.memory_space<vmem>>, vector<16xf32>,
      %sub3A_315 = arith.subf %get3A_310, %get3A_314 : vector<16xf32>
      %mul3A_316 = arith.mulf %sub3A_315, %sub3A_315 : vector<16xf32>
      %add3A_317 = arith.addf %scan3A_216, %mul3A_316 : vector<16xf32>
      scf.yield %add3A_229, %add3A_240, %add3A_251, %add3A_262, %add3A_273, %add3A_284, %add3A_295, %add3A_306, %add3A_317 : vector<16xf32>, vector<16xf32>, vector<16xf32>, vector<16xf32>, vector<16xf32>, vector<16xf32>, vector<16xf32>, vector<16xf32>, vector<16xf32>
    }
    %scan3A_154 = arith.constant 217 : i32
    %add3A_155 = arith.addf %scan3A_153#0, %scan3A_153#1 : vector<16xf32>
    %add3A_156 = arith.addf %add3A_155, %scan3A_153#2 : vector<16xf32>
    %add3A_157 = arith.addf %add3A_156, %scan3A_153#3 : vector<16xf32>
    %add3A_158 = arith.addf %add3A_157, %scan3A_153#4 : vector<16xf32>
    %add3A_159 = arith.addf %add3A_158, %scan3A_153#5 : vector<16xf32>
    %add3A_160 = arith.addf %add3A_159, %scan3A_153#6 : vector<16xf32>
    %add3A_161 = arith.addf %add3A_160, %scan3A_153#7 : vector<16xf32>
    %add3A_162 = arith.addf %add3A_161, %scan3A_153#8 : vector<16xf32>
    %get3A_163 = arith.constant 0 : index
    %get3A_164 = tpu.vector_load %arg9[%get3A_163] {strides = array<i32>} : memref<64xf32, #tpu.memory_space<vmem>>, vector<16xf32>,
    %get3A_165 = arith.constant 0 : index
    %get3A_166 = tpu.vector_load %arg10[%get3A_165] {strides = array<i32>} : memref<64xf32, #tpu.memory_space<vmem>>, vector<16xf32>,
    %sub3A_167 = arith.subf %get3A_164, %get3A_166 : vector<16xf32>
    %mul3A_168 = arith.mulf %sub3A_167, %sub3A_167 : vector<16xf32>
    %add3A_169 = arith.addf %add3A_162, %mul3A_168 : vector<16xf32>
    %get3A_170 = arith.constant 16 : index
    %get3A_171 = tpu.vector_load %arg9[%get3A_170] {strides = array<i32>} : memref<64xf32, #tpu.memory_space<vmem>>, vector<16xf32>,
    %get3A_172 = arith.constant 16 : index
    %get3A_173 = tpu.vector_load %arg10[%get3A_172] {strides = array<i32>} : memref<64xf32, #tpu.memory_space<vmem>>, vector<16xf32>,
    %sub3A_174 = arith.subf %get3A_171, %get3A_173 : vector<16xf32>
    %mul3A_175 = arith.mulf %sub3A_174, %sub3A_174 : vector<16xf32>
    %add3A_176 = arith.addf %add3A_169, %mul3A_175 : vector<16xf32>
    %get3A_177 = arith.constant 32 : index
    %get3A_178 = tpu.vector_load %arg9[%get3A_177] {strides = array<i32>} : memref<64xf32, #tpu.memory_space<vmem>>, vector<16xf32>,
    %get3A_179 = arith.constant 32 : index
    %get3A_180 = tpu.vector_load %arg10[%get3A_179] {strides = array<i32>} : memref<64xf32, #tpu.memory_space<vmem>>, vector<16xf32>,
    %sub3A_181 = arith.subf %get3A_178, %get3A_180 : vector<16xf32>
    %mul3A_182 = arith.mulf %sub3A_181, %sub3A_181 : vector<16xf32>
    %add3A_183 = arith.addf %add3A_176, %mul3A_182 : vector<16xf32>
    %get3A_184 = arith.constant 48 : index
    %get3A_185 = tpu.vector_load %arg9[%get3A_184] {strides = array<i32>} : memref<64xf32, #tpu.memory_space<vmem>>, vector<16xf32>,
    %get3A_186 = arith.constant 48 : index
    %get3A_187 = tpu.vector_load %arg10[%get3A_186] {strides = array<i32>} : memref<64xf32, #tpu.memory_space<vmem>>, vector<16xf32>,
    %sub3A_188 = arith.subf %get3A_185, %get3A_187 : vector<16xf32>
    %mul3A_189 = arith.mulf %sub3A_188, %sub3A_188 : vector<16xf32>
    %add3A_190 = arith.addf %add3A_183, %mul3A_189 : vector<16xf32>
    %eq3A_191 = arith.constant 0 : i32
    %eq3A_192 = vector.broadcast %eq3A_191 : i32 to vector<16xi32>
    %eq3A_193 = arith.cmpi eq, %iota3A, %eq3A_192 : vector<16xi32>
    %convert_element_type3A_194 = arith.extui %eq3A_193 : vector<16xi1> to vector<16xi32>
    %convert_element_type3A_195 = arith.sitofp %convert_element_type3A_194 : vector<16xi32> to vector<16xf32>
    %mul3A_196 = arith.constant 8.000000e-07 : f32
    %mul3A_197 = vector.broadcast %mul3A_196 : f32 to vector<16xf32>
    %mul3A_198 = arith.mulf %add3A_190, %mul3A_197 : vector<16xf32>
    %mul3A_199 = arith.mulf %broadcast_in_dim3A_140, %convert_element_type3A_195 : vector<16xf32>
    %mul3A_200 = arith.constant 2.000000e-04 : f32
    %mul3A_201 = arith.mulf %select_n3A, %mul3A_200 : f32
    %mul3A_202 = vector.broadcast %mul3A_201 : f32 to vector<16xf32>
    %mul3A_203 = arith.mulf %mul3A_199, %mul3A_202 : vector<16xf32>
    %add3A_204 = arith.addf %mul3A_198, %mul3A_203 : vector<16xf32>
    %swap3A_205 = arith.constant 0 : index
    %swap3A_206 = tpu.vector_load %arg18[%swap3A_205] {strides = array<i32>} : memref<16xf32, #tpu.memory_space<vmem>>, vector<16xf32>,
    tpu.vector_store %arg18[%swap3A_205], %add3A_204 {strides = array<i32>} : memref<16xf32, #tpu.memory_space<vmem>>, vector<16xf32>,
    "tpu.region"() ({
      %run_scoped3A_207 = tpu.sem_alloc : memref<!tpu.dma_semaphore, #tpu.memory_space<semaphore_mem>>
      %dma_start3A_208 = arith.constant 0 : i32
      %dma_start3A_209 = tpu.memref_slice %arg6[%add3A, %dma_start3A_208] : memref<32x16xf32, #tpu.memory_space<hbm>> -> memref<1x16xf32, #tpu.memory_space<hbm>>
      %dma_start3A_210 = tpu.memref_squeeze %dma_start3A_209 : memref<1x16xf32, #tpu.memory_space<hbm>> -> memref<16xf32, #tpu.memory_space<hbm>>
      %dma_start3A_211 = arith.constant 0 : i32
      %dma_start3A_212 = tpu.memref_slice %arg6[%add3A, %dma_start3A_211] : memref<32x16xf32, #tpu.memory_space<hbm>> -> memref<1x16xf32, #tpu.memory_space<hbm>>
      %dma_start3A_213 = tpu.memref_squeeze %dma_start3A_212 : memref<1x16xf32, #tpu.memory_space<hbm>> -> memref<16xf32, #tpu.memory_space<hbm>>
      tpu.enqueue_dma source(%arg18 : memref<16xf32, #tpu.memory_space<vmem>>) target(%dma_start3A_213 : memref<16xf32, #tpu.memory_space<hbm>>) target_semaphore(%run_scoped3A_207 : memref<!tpu.dma_semaphore, #tpu.memory_space<semaphore_mem>>)
      %dma_wait3A_214 = arith.constant 0 : i32
      %dma_wait3A_215 = tpu.memref_slice %arg6[%add3A, %dma_wait3A_214] : memref<32x16xf32, #tpu.memory_space<hbm>> -> memref<1x16xf32, #tpu.memory_space<hbm>>
      %dma_wait3A_216 = tpu.memref_squeeze %dma_wait3A_215 : memref<1x16xf32, #tpu.memory_space<hbm>> -> memref<16xf32, #tpu.memory_space<hbm>>
      %dma_wait3A_217 = arith.constant 0 : i32
      %dma_wait3A_218 = tpu.memref_slice %arg6[%add3A, %dma_wait3A_217] : memref<32x16xf32, #tpu.memory_space<hbm>> -> memref<1x16xf32, #tpu.memory_space<hbm>>
      %dma_wait3A_219 = tpu.memref_squeeze %dma_wait3A_218 : memref<1x16xf32, #tpu.memory_space<hbm>> -> memref<16xf32, #tpu.memory_space<hbm>>
      tpu.wait_dma2 semaphore(%run_scoped3A_207 : memref<!tpu.dma_semaphore, #tpu.memory_space<semaphore_mem>>) src(%arg18 : memref<16xf32, #tpu.memory_space<vmem>>) dst(%dma_wait3A_219 : memref<16xf32, #tpu.memory_space<hbm>>)
      tpu.yield
    }) : () -> ()
    return
  }
}

</mosaic_0001>

<sc_bundles>
// kernel: kernel.3.cloned.1.call-start
scs
__scs_entry_jumppad:
0x0: {  	(pc) =	sbr.rel $0x88, $3  }
0x1: {  	(tag) =	ssettag $0x0;
	lr =	simm.s32 $0x1  }
0x2: {  	[smem:$0x3F9E] =	sst lr;
	_ =	strace $0xD0000000  }
0x3: {  	_ = 	snop  }
0x4: {  	_ = 	snop  }
0x5: {  	_ = 	snop  }
0x6: {  	_ = 	snop  }
0x7: {  	_ = 	snop  }
__scs_overlays_trampoline_lowered:
0x8: {  	[smem:$0x3FAD] =	sst s0  }
0x9: {  	[smem:$0x3FAE] =	sst s1  }
0xa: {  	[smem:$0x3FAF] =	sst s2  }
0xb: {  	[smem:$0x3FB0] =	sst s3  }
0xc: {  	[smem:$0x3FB1] =	sst s4  }
0xd: {  	[smem:$0x3FB2] =	sst s5  }
0xe: {  	[smem:$0x3FB3] =	sst s6  }
0xf: {  	[smem:$0x3FB4] =	sst s7  }
0x10: {  	[smem:$0x3FB5] =	sst s8  }
0x11: {  	[smem:$0x3FB6] =	sst s9;
	s0 =	simm.s32 @!p0 $0x0  }
0x12: {  	s1 =	sld [smem:$0x3F9C];
	s0 =	simm.s32 @p0 $0x1  }
0x13: {  	[smem:$0x3FB7] =	sst s0;
	s0 =	simm.s32 @!p1 $0x0  }
0x14: {  	s2 =	sld [smem:$0x3F9B];
	s0 =	simm.s32 @p1 $0x1  }
0x15: {  	[smem:$0x3FB8] =	sst s0;
	s0 =	simm.s32 @!p2 $0x0  }
0x16: {  	s3 =	sld [smem:$0x3FDB];
	s0 =	simm.s32 @p2 $0x1  }
0x17: {  	s4 =	simm.s32 $0x1BF5;
	[smem:$0x3FBA] =	sst s0  }
0x18: {  	s0 =	sld [smem:$0x3F9D];
	_ =	swait.ge [sflag:s4], $0x0  }
0x19: {  	s7 =	sld [smem:$0x3F9E]  }
0x1a: {  	s8 =	sadd.s32 $0xFFFFE003, lr  }
0x1b: {  	s9 =	sadd.s32 $0xFFFFFEF7, lr;
	s5 =	simm.s32 $0xFFFFFFFF;
	p2 =	slt.u32 s8, $0xFFFFF086  }
0x1c: {  	p1 =	slt.u32 s9, $0xF7A;
	s5 =	simm.s32 @!p2 $0x0  }
0x1d: {  	s5 =	simm.s32 @p1 $0x1;
	p0 =	seq.s32 s7, s2  }
0x1e: {  	s7 =	smul.u32 @!p0 $0xF7A, s2;
	p2 =	seq.s32 @!p0 s5, $0x0  }
0x1f: {  	s9 =	smul.u32 $0xF7A, s1;
	s8 =	simm.s32 @!p0 $0x1BF5;
	p2 =	por !p2, p0  }
0x20: {  	[sflag:s8] =	ssyncset.s32 @!p0 $0xFFFFF086;
	s6 =	sadd.s32 @!p0 s3, s7;
	s7 =	simm.s32 @!p0 $0x108  }
0x21: {  	s3 =	sadd.s32 s3, s9;
	s6 =	sadd.s32 @!p0 $0x88, s6;
	s7 =	simm.s32 @p2 $0x1082  }
0x22: {  	[simem:s7], [sflag:s8] =	dma.local @!p0 [hbm:s6], $0xF7A  }
0x23: {  	s9 =	sor.u32 $0xD0000000, s2;
	s6 =	simm.s32 $0x108;
	_ =	swait.ge @!p0 [sflag:s8], $0x0  }
0x24: {  	s3 =	sadd.s32 $0x88, s3;
	s6 =	simm.s32 @!p1 $0x1082;
	[sflag:s4] =	ssyncset.s32 $0xFFFFF086  }
0x25: {  	[simem:s6], [sflag:s4] =	dma.local [hbm:s3], $0xF7A  }
0x26: {  	[smem:$0x3F9E] =	sst s1;
	(tag) =	ssettag s2;
	_ =	strace s9  }
0x27: {  	s1 =	sld [smem:$0x3FAE]  }
0x28: {  	s2 =	sld [smem:$0x3FAF]  }
0x29: {  	s4 =	sld [smem:$0x3FB1]  }
0x2a: {  	p0 =	seq.s32 s5, $0x0;
	s5 =	sld [smem:$0x3FB2]  }
0x2b: {  	s6 =	sld [smem:$0x3FB3]  }
0x2c: {  	s7 =	sld [smem:$0x3FB4]  }
0x2d: {  	s3 =	simm.s32 $0x108;
	s8 =	sld [smem:$0x3FB5]  }
0x2e: {  	s3 =	simm.s32 @!p0 $0x1082;
	s9 =	sld [smem:$0x3FB6]  }
0x2f: {  	lr =	sadd.s32 s0, s3;
	s0 =	sld [smem:$0x3FAD]  }
0x30: {  	s3 =	sld [smem:$0x3FB0]  }
0x31: {  	[smem:$0x3FB9] =	sst s10  }
0x32: {  	s10 =	sld [smem:$0x3FB7];
	_ =	sdelay $0x3  }
0x33: {  	p0 =	seq.s32 s10, $0x1;
	s10 =	sld [smem:$0x3FB9];
	_ =	sdelay $0x3  }
0x34: {  	[smem:$0x3FB9] =	sst s10  }
0x35: {  	s10 =	sld [smem:$0x3FB8];
	_ =	sdelay $0x3  }
0x36: {  	p1 =	seq.s32 s10, $0x1;
	s10 =	sld [smem:$0x3FB9];
	_ =	sdelay $0x3  }
0x37: {  	[smem:$0x3FB9] =	sst s10  }
0x38: {  	s10 =	sld [smem:$0x3FBA]  }
0x39: {  	_ = 	snop;
	(pc) =	sbr.ind lr, $3  }
0x3a: {  	_ = 	snop  }
0x3b: {  	_ = 	snop  }
0x3c: {  	p2 =	seq.s32 s10, $0x1;
	s10 =	sld [smem:$0x3FB9]  }
0x3d: {  	_ =	shalt  }
0x3e: {  	_ =	shalt  }
0x3f: {  	_ =	shalt  }
0x40: {  	_ =	shalt  }
0x41: {  	_ =	shalt  }
0x42: {  	_ =	shalt  }
0x43: {  	_ =	shalt  }
0x44: {  	_ =	shalt  }
0x45: {  	_ =	shalt  }
0x46: {  	_ =	shalt  }
0x47: {  	_ =	shalt  }
0x48: {  	_ =	shalt  }
0x49: {  	_ =	shalt  }
0x4a: {  	_ =	shalt  }
0x4b: {  	_ =	shalt  }
0x4c: {  	_ =	shalt  }
0x4d: {  	_ =	shalt  }
0x4e: {  	_ =	shalt  }
0x4f: {  	_ =	shalt  }
0x50: {  	_ =	shalt  }
0x51: {  	_ =	shalt  }
0x52: {  	_ =	shalt  }
0x53: {  	_ =	shalt  }
0x54: {  	_ =	shalt  }
0x55: {  	_ =	shalt  }
0x56: {  	_ =	shalt  }
0x57: {  	_ =	shalt  }
0x58: {  	_ =	shalt  }
0x59: {  	_ =	shalt  }
0x5a: {  	_ =	shalt  }
0x5b: {  	_ =	shalt  }
0x5c: {  	_ =	shalt  }
0x5d: {  	_ =	shalt  }
0x5e: {  	_ =	shalt  }
0x5f: {  	_ =	shalt  }
0x60: {  	_ =	shalt  }
0x61: {  	_ =	shalt  }
0x62: {  	_ =	shalt  }
0x63: {  	_ =	shalt  }
0x64: {  	_ =	shalt  }
0x65: {  	_ =	shalt  }
0x66: {  	_ =	shalt  }
0x67: {  	_ =	shalt  }
0x68: {  	_ =	shalt  }
0x69: {  	_ =	shalt  }
0x6a: {  	_ =	shalt  }
0x6b: {  	_ =	shalt  }
0x6c: {  	_ =	shalt  }
0x6d: {  	_ =	shalt  }
0x6e: {  	_ =	shalt  }
0x6f: {  	_ =	shalt  }
0x70: {  	_ =	shalt  }
0x71: {  	_ =	shalt  }
0x72: {  	_ =	shalt  }
0x73: {  	_ =	shalt  }
0x74: {  	_ =	shalt  }
0x75: {  	_ =	shalt  }
0x76: {  	_ =	shalt  }
0x77: {  	_ =	shalt  }
0x78: {  	_ =	shalt  }
0x79: {  	_ =	shalt  }
0x7a: {  	_ =	shalt  }
0x7b: {  	_ =	shalt  }
0x7c: {  	_ =	shalt  }
0x7d: {  	_ =	shalt  }
0x7e: {  	_ =	shalt  }
0x7f: {  	_ =	shalt  }
0x80: {  	_ =	shalt  }
0x81: {  	_ =	shalt  }
0x82: {  	_ =	shalt  }
0x83: {  	_ =	shalt  }
0x84: {  	_ =	shalt  }
0x85: {  	_ =	shalt  }
0x86: {  	_ =	shalt  }
0x87: {  	_ =	shalt  }
.Lfunc_end0:
.L_simem_size_0:
called_computation_lowered:
.L_overlay_start_0:
0x88: {  	s2 =	sld [smem:$0x3FD9]  }
0x89: {  	s3 =	sld [smem:$0x3FFE];
	_ =	sdelay $0x1  }
0x8a: {  	s1 =	srdreg.scid  }
0x8b: {  	s0 =	sand.u32 $0x1, s1  }
0x8c: {  	s17 =	sshll.u32 s0, $0xA;
	s2 =	sadd.s32 s3, s2  }
0x8d: {  	s2 =	sadd.s32 s2, s17  }
0x8e: {  	[smem:$0x3FC5] =	sst s2  }
0x8f: {  	_ = 	snop  }
0x90: {  	s2 =	sld [smem:$0x3FC9]  }
0x91: {  	s18 =	sld [smem:$0x3FC8]  }
0x92: {  	s4 =	sld [smem:$0x3FD0];
	(tm) =	ssettm $0x1  }
0x93: {  	s5 =	sld [smem:$0x3FFB];
	_ =	sdelay $0x3  }
0x94: {  	_ =	strace s5  }
0x95: {  	s5 =	sld [smem:$0x3FFC];
	_ =	sdelay $0x3  }
0x96: {  	_ =	strace s5  }
0x97: {  	s5 =	sld [smem:$0x3FFD];
	_ =	sdelay $0x3  }
0x98: {  	_ =	strace s5  }
0x99: {  	_ =	strace $0x8FFFFFFF  }
0x9a: {  	s19 =	sld [smem:$0x3FDB];
	_ =	sdelay $0x1  }
0x9b: {  	s6 =	simm.s32 $_scs_section_size  }
0x9c: {  	s7 =	simm.s32 $_size__tile_overlayer_lowered;
	s8 =	simm.s32 $_tile_overlayer_lowered  }
0x9d: {  	s22 =	simm.s32 $0x1BFF;
	s21 =	sshll.u32 s8, $0x1;
	s5 =	sadd.s32 s6, s19  }
0x9e: {  	s9 =	simm.s32 $0x0;
	s20 =	sshll.u32 s7, $0x1;
	s7 =	sadd.s32 s21, s5  }
0x9f: {  	[timem:s9], [sflag:s22] =	dma.local [hbm:s7], s20  }
0xa0: {  	_ =	swait.ge [sflag:s22], s20  }
0xa1: {  	s6 =	ssub.s32 $0x0, s20;
	[sflag:s22] =	ssyncset.done $0x0  }
0xa2: {  	[sflag:s22] =	ssyncadd.s32 s6;
	_ =	sdelay $0x1  }
0xa3: {  	s23 =	simm.s32 $0x1B8B  }
0xa4: {  	_ =	swait.ge [sflag:s23], $0x1  }
0xa5: {  	[sflag:s23] =	ssyncset.done $0x0  }
0xa6: {  	s25 =	simm.s32 $0x1B8E;
	s24 =	sld [smem:$0x3FFE];
	[sflag:s23] =	ssyncadd.s32 $0xFFFFFFFF  }
0xa7: {  	s26 =	simm.s32 $execute0_lowered;
	[smem:$0x3FD2] =	sst s25  }
0xa8: {  	s7 =	sshll.u32 s26, $0x1;
	_ =	strace $0x80000046;
	[dreg:$0x1] =	wrdreg $0xFFFFFFFF  }
0xa9: {  	s28 =	simm.s32 $_size_execute0_lowered;
	s5 =	sadd.s32 s5, s7;
	[dreg:$0x0] =	wrdreg $0x0  }
0xaa: {  	s7 =	sshll.u32 s28, $0x1;
	[dreg:$0x2] =	wrdreg s5  }
0xab: {  	[dreg:$0x3] =	wrdreg s7  }
0xac: {  	[dreg:$0x4] =	wrdreg $0xC0  }
0xad: {  	_ =	task [dreg:s9], $0x5FFFF  }
0xae: {  	[dreg:$0x1] =	wrdreg $0xFFFFFFFF  }
0xaf: {  	[dreg:$0x0] =	wrdreg $0x60  }
0xb0: {  	[dreg:$0x2] =	wrdreg s2  }
0xb1: {  	[dreg:$0x3] =	wrdreg s18  }
0xb2: {  	[dreg:$0x4] =	wrdreg s24  }
0xb3: {  	[dreg:$0x5] =	wrdreg s4  }
0xb4: {  	[dreg:$0x6] =	wrdreg $0x9  }
0xb5: {  	_ =	task.clear_ibuf [dreg:s9], $0x7FFFF;
	_ =	strace $0x90000046  }
0xb6: {  	s29 =	simm.s32 $0x9;
	_ =	strace $0x80000048  }
0xb7: {  	_ =	swait.ge [sflag:s29], $0x1  }
0xb8: {  	[sflag:s29] =	ssyncadd.s32 $0xFFFFFFFF  }
0xb9: {  	_ =	strace $0x90000048  }
0xba: {  	_ =	sfence  }
0xbb: {  	s30 =	sld [smem:$0x0];
	_ =	sdelay $0x2  }
0xbc: {  	s31 =	sshll.u32 s1, $0xD;
	s1 =	sshrl.u32 s1, $0x2  }
0xbd: {  	s3 =	sand.u32 $0x4000, s31;
	s1 =	sadd.s32 s1, s30  }
0xbe: {  	s0 =	sor.u32 s3, s0;
	s1 =	sshll.u32 s1, $0x11  }
0xbf: {  	s0 =	sor.u32 s1, s0  }
0xc0: {  	s0 =	sadd.s32 $0x8F2B, s0  }
0xc1: {  	[sflag:s0] =	ssyncadd.remote.s32 $0x1  }
0xc2: {  	_ =	sfence.sel $0xFFFF  }
0xc3: {  	[dreg:$0x0] =	wrdreg $0xFFFFFFFF;
	(pc) =	sbr.abs _section_cstart, $3  }
0xc4: {  	[dreg:$0x1] =	wrdreg $0xFFFFFFFF  }
0xc5: {  	_ =	task.clear_ibuf [dreg:s9], $0x2FFFF;
	_ =	strace $0x9FFFFFFF  }
0xc6: {  	(tm) =	ssettm $0x7FFFFFFF  }
0xc7: {  	_ =	shalt  }
tec
execute0_lowered:
.L_overlay_start_1:
0x0: {  	(tag) =	ssettag $0x1  }
0x1: {  	s1 =	rddreg [dreg:$0x0]  }
0x2: {  	s2 =	rddreg [dreg:$0x1]  }
0x3: {  	s0 =	rddreg [dreg:$0x2]  }
0x4: {  	s5 =	simm.s32 $0x0;
	s3 =	srdreg.scid;
	s4 =	stileid.u32  }
0x5: {  	s11 =	simm.f32 $1.999999950e-04;
	s12 =	simm.s32 $0xF680;
	s13 =	simm.s32 $0xF700  }
0x6: {  	s14 =	simm.s32 $0xF780;
	s19 =	simm.s32 $0x4;
	s20 =	simm.s32 $0x80  }
0x7: {  	s21 =	simm.s32 $0xF800;
	s22 =	simm.s32 $0x7A80;
	s23 =	simm.s32 $0x3  }
0x8: {  	s24 =	simm.s32 $0xF880;
	s25 =	simm.s32 $0xF900;
	s26 =	simm.s32 $0x1  }
0x9: {  	s28 =	simm.s32 $0x2;
	s29 =	simm.s32 $0xF980;
	s30 =	simm.s32 $0x0  }
0xa: {  	[smem:$0x7FF] =	sst s5;
	s3 =	sand.u32 $0x1, s3;
	s6 =	sshll.u32 s4, $0x1  }
0xb: {  	v1 =	vimm.f32 $0.0e+00;
	v2 =	vlaneseq.u32;
	vm1 =	vcmask $0x2B04;
	s9 =	sadd.s32 $0x1E840, s2;
	_ =	strace $0x80000047;
	s17 =	sor.u32 s3, s6  }
0xc: {  	v16 =	vimm.s32 $0xA;
	v4 =	vor.u32 $0x80000010, v2;
	v5 =	vor.u32 $0x80000020, v2;
	s3 =	ssub.s32 $0x2, s3;
	s6 =	sadd.s32 $0x200, s0;
	s7 =	sshll.u32 s17, $0x4  }
0xd: {  	vm0 =	vmmov $0xf;
	v6 =	vor.u32 $0x80000030, v2;
	v7 =	vor.u32 $0x80000040, v2;
	s8 =	sshrl.u32 s3, $0x1;
	s31 =	smul.u32 $0xF42, s17;
	p0 =	slt.u32 s17, $0x19  }
0xe: {  	v3 =	vor.u32 $0x80000000, v2;
	v8 =	vor.u32 $0x80000050, v2;
	v9 =	vor.u32 $0x80000060, v2;
	s10 =	sadd.s32 s7, s0;
	s3 =	ssub.s32 s3, s8;
	s7 =	sadd.s32 $0x210, s0  }
0xf: {  	v10 =	vor.u32 $0x10, v2;
	v11 =	vor.u32 $0x20, v2;
	v12 =	vor.u32 $0x30, v2;
	s8 =	sadd.s32 $0x1E840, s1;
	s11 =	simm.s32 @!p0 $0x0;
	p0 =	sne.s32 s17, $0x1F  }
0x10: {  	v13 =	vor.u32 $0x40, v2;
	v14 =	vor.u32 $0x50, v2;
	s17 =	sshll.u32 s17, $0x2;
	v0 =	vmov s11;
	s10 =	sadd.s32 $0x400, s10;
	s11 =	simm.s32 $0xF600  }
0x11: {  	v15 =	vor.u32 $0x60, v2;
	v17 =	vsel vm1, $0x3F800000, v1;
	vm1 =	vcmask $0x300;
	s15 =	sadd.s32 s1, s31;
	s16 =	sadd.s32 s2, s31;
	s18 =	smax.u32 s3, $0x1  }
.LBB2_1:
0x12: {  	s0 =	rddreg [dreg:$0x3]  }
0x13: {  	[tilespmem:s11], [sflag:$0x4] =	stream.linear.gather [hbm4b:s0+s5], $0x80, $0x38;
	[tilespmem:$0xFA00] =	vst v63  }
0x14: {  	_ =	swait.ge [sflag:s19], $0x80  }
0x15: {  	[sflag:s19] =	ssyncset.done $0x0  }
0x16: {  	[sflag:s19] =	ssyncadd.s32 $0xFFFFFF80  }
0x17: {  	[tilespmem:s12], [sflag:$0x3] =	stream.indirect.gather [hbm4b:s1+s20], $0x1, s11, s20, $0xb8;
	[tilespmem:$0xFA00] =	vst v63  }
0x18: {  	_ = 	snop  }
0x19: {  	[tilespmem:s13], [sflag:$0x3] =	stream.indirect.gather [hbm4b:s2+s20], $0x1, s11, s20, $0xb8;
	[tilespmem:$0xFA00] =	vst v63  }
0x1a: {  	_ = 	snop  }
0x1b: {  	[tilespmem:s14], [sflag:$0x4] =	stream.linear.gather [hbm4b:s6+s5], $0x80, $0x38;
	[tilespmem:$0xFA00] =	vst v63  }
0x1c: {  	_ =	swait.ge [sflag:s19], $0x80  }
0x1d: {  	[sflag:s19] =	ssyncset.done $0x0  }
0x1e: {  	[sflag:s19] =	ssyncadd.s32 $0xFFFFFF80  }
0x1f: {  	[tilespmem:s21], [sflag:$0x4] =	stream.linear.gather [hbm4b:s7+s5], $0x80, $0x38;
	[tilespmem:$0xFA00] =	vst v63  }
0x20: {  	_ =	swait.ge [sflag:s19], $0x80  }
0x21: {  	[sflag:s19] =	ssyncset.done $0x0  }
0x22: {  	[sflag:s19] =	ssyncadd.s32 $0xFFFFFF80  }
0x23: {  	[tilespmem:s5], [sflag:$0x1] =	stream.linear.gather [hbm4b:s15+s5], $0x7A10, $0x38;
	[tilespmem:$0xFA00] =	vst v63  }
0x24: {  	_ = 	snop  }
0x25: {  	[tilespmem:s22], [sflag:$0x2] =	stream.linear.gather [hbm4b:s16+s5], $0x7A10, $0x38;
	[tilespmem:$0xFA00] =	vst v63  }
0x26: {  	[tilespmem:$0xF500] =	vst v1  }
0x27: {  	[tilespmem:$0xF580] =	vst v1  }
0x28: {  	[tilespmem:$0xF510] =	vst v1  }
0x29: {  	[tilespmem:$0xF590] =	vst v1  }
0x2a: {  	[tilespmem:$0xF520] =	vst v1  }
0x2b: {  	[tilespmem:$0xF5A0] =	vst v1  }
0x2c: {  	[tilespmem:$0xF530] =	vst v1  }
0x2d: {  	s3 =	simm.s32 @!p0 $0xF500;
	s0 =	simm.s32 @!p0 $0x0;
	[tilespmem:$0xF5B0] =	vst v1  }
0x2e: {  	[tilespmem:s3], [sflag:$0x4] =	stream.linear.gather @!p0 [hbm4b:s8+s0], $0x40, $0x38;
	[tilespmem:$0xFA00] =	vst v63  }
0x2f: {  	s3 =	simm.s32 @!p0 $0x4  }
0x30: {  	_ =	swait.ge @!p0 [sflag:s3], $0x40  }
0x31: {  	[sflag:s3] =	ssyncset.done @!p0 $0x0  }
0x32: {  	s31 =	simm.s32 @!p0 $0xF580;
	[sflag:s3] =	ssyncadd.s32 @!p0 $0xFFFFFFC0  }
0x33: {  	[tilespmem:s31], [sflag:$0x4] =	stream.linear.gather @!p0 [hbm4b:s9+s0], $0x40, $0x38;
	[tilespmem:$0xFA00] =	vst v63  }
0x34: {  	_ =	swait.ge @!p0 [sflag:s3], $0x40  }
0x35: {  	[sflag:s3] =	ssyncset.done @!p0 $0x0  }
0x36: {  	[sflag:s3] =	ssyncadd.s32 @!p0 $0xFFFFFFC0  }
0x37: {  	_ =	swait.ge [sflag:s23], $0x80  }
0x38: {  	[sflag:s23] =	ssyncset.done $0x0  }
0x39: {  	[sflag:s23] =	ssyncadd.s32 $0xFFFFFF80  }
0x3a: {  	_ =	swait.ge [sflag:s23], $0x80  }
0x3b: {  	[sflag:s23] =	ssyncset.done $0x0  }
0x3c: {  	[sflag:s23] =	ssyncadd.s32 $0xFFFFFF80  }
0x3d: {  	v18 =	vld [tilespmem:$0xF680]  }
0x3e: {  	v25 =	vld [tilespmem:$0xF700]  }
0x3f: {  	v19 =	vld [tilespmem:$0xF780]  }
0x40: {  	v20 =	vld [tilespmem:$0xF800]  }
0x41: {  	v26 =	vld [tilespmem:$0xF690]  }
0x42: {  	v27 =	vld [tilespmem:$0xF710]  }
0x43: {  	v21 =	vld [tilespmem:$0xF790]  }
0x44: {  	v22 =	vld [tilespmem:$0xF810]  }
0x45: {  	v28 =	vld [tilespmem:$0xF6A0]  }
0x46: {  	v29 =	vld [tilespmem:$0xF720]  }
0x47: {  	v23 =	vld [tilespmem:$0xF7A0]  }
0x48: {  	v24 =	vld [tilespmem:$0xF820]  }
0x49: {  	v30 =	vld [tilespmem:$0xF6B0]  }
0x4a: {  	v31 =	vld [tilespmem:$0xF730]  }
0x4b: {  	v32 =	vld [tilespmem:$0xF6C0]  }
0x4c: {  	v33 =	vld [tilespmem:$0xF740]  }
0x4d: {  	v34 =	vld [tilespmem:$0xF6D0]  }
0x4e: {  	v35 =	vld [tilespmem:$0xF750]  }
0x4f: {  	v36 =	vld [tilespmem:$0xF6E0]  }
0x50: {  	v37 =	vld [tilespmem:$0xF760];
	v18 =	vsub.f32 v18, v25  }
0x51: {  	[tilespmem:$0xF8F0] =	vst v1;
	v26 =	vsub.f32 v26, v27;
	v25 =	vld [tilespmem:$0xF7B0]  }
0x52: {  	v27 =	vld [tilespmem:$0xF7C0];
	[tilespmem:$0xF880] =	vst v18;
	v18 =	vsub.f32 v28, v29  }
0x53: {  	[tilespmem:$0xF890] =	vst v26;
	v28 =	vsub.f32 v30, v31;
	v26 =	vld [tilespmem:$0xF830]  }
0x54: {  	v29 =	vld [tilespmem:$0xF7D0];
	[tilespmem:$0xF8A0] =	vst v18;
	v18 =	vsub.f32 v32, v33  }
0x55: {  	v30 =	vsub.f32 v34, v35;
	v31 =	vld [tilespmem:$0xF7E0];
	[tilespmem:$0xF8B0] =	vst v28  }
0x56: {  	v28 =	vld [tilespmem:$0xF840];
	[tilespmem:$0xF8C0] =	vst v18;
	v18 =	vsub.f32 v36, v37  }
0x57: {  	[tilespmem:$0xF8D0] =	vst v30;
	v30 =	vld [tilespmem:$0xF850]  }
0x58: {  	s31 =	simm.s32 $0x0;
	v32 =	vld [tilespmem:$0xF860];
	[tilespmem:$0xF8E0] =	vst v18;
	v18 =	vimm.f32 $0.0e+00  }
.LBB2_2:
0x59: {  	s0 =	sadd.s32 s17, s31  }
0x5a: {  	v33 =	vmov s0;
	_ =	sdelay $0x4  }
0x5b: {  	v34 =	vld.idx.msk [tilespmem:v33+s14+$0x0], $0xffff  }
0x5c: {  	v40 =	vld.idx.msk [tilespmem:v33+s21+$0x0], $0xffff;
	_ =	sdelay $0x4  }
0x5d: {  	v35 =	vsub.f32 v19, v34;
	v36 =	vsub.f32 v20, v40  }
0x5e: {  	v37 =	vsub.f32 v21, v34;
	v38 =	vsub.f32 v22, v40  }
0x5f: {  	v48 =	vsub.f32 v23, v34;
	v39 =	vsub.f32 v24, v40  }
0x60: {  	v41 =	vsub.f32 v25, v34;
	v35 =	vmul.f32 v35, v35;
	v36 =	vmul.f32 v36, v36  }
0x61: {  	v42 =	vsub.f32 v26, v40;
	v37 =	vmul.f32 v37, v37;
	v38 =	vmul.f32 v38, v38  }
0x62: {  	v43 =	vsub.f32 v27, v34;
	v44 =	vsub.f32 v28, v40;
	v39 =	vmul.f32 v39, v39  }
0x63: {  	v35 =	vadd.f32 v36, v35;
	v36 =	vmul.f32 v48, v48;
	v37 =	vadd.f32 v38, v37  }
0x64: {  	v54 =	vsub.f32 v29, v34;
	v55 =	vsub.f32 v30, v40;
	v49 =	vmul.f32 v41, v41  }
0x65: {  	v50 =	vmul.f32 v42, v42;
	v39 =	vadd.f32 v39, v36;
	vm2 =	vlt.f32 v37, v35  }
0x66: {  	v34 =	vsub.f32 v31, v34;
	v51 =	vmul.f32 v43, v43;
	v53 =	vsel vm2, v37, v35  }
0x67: {  	v52 =	vmul.f32 v44, v44;
	v38 =	vadd.f32 v50, v49;
	vm3 =	vlt.f32 v39, v53  }
0x68: {  	v40 =	vsub.f32 v32, v40;
	v42 =	vmul.f32 v54, v54;
	v41 =	vsel vm3, v39, v53  }
0x69: {  	v43 =	vmul.f32 v55, v55;
	v36 =	vadd.f32 v52, v51;
	vm4 =	vlt.f32 v38, v41  }
0x6a: {  	v34 =	vmul.f32 v34, v34;
	v56 =	vmul.f32 v40, v40;
	v41 =	vsel vm4, v38, v41  }
0x6b: {  	v40 =	vadd.f32 v43, v42;
	vm5 =	vlt.f32 v36, v41  }
0x6c: {  	v34 =	vadd.f32 v56, v34;
	v57 =	vsel vm5, v36, v41  }
0x6d: {  	vm6 =	vlt.f32 v40, v57  }
0x6e: {  	v41 =	vnsel vm0, $0x7F800000, v34;
	v58 =	vsel vm6, v40, v57  }
0x6f: {  	vm7 =	vlt.f32 v41, v58  }
0x70: {  	v34 =	vsel vm7, v41, v58  }
0x71: {  	(xrf0) =	vmin.scan.msk.f32 $0xffff, v34;
	_ =	sdelay $0x3  }
0x72: {  	v59 =	vsel vm2, v4, v3  }
0x73: {  	v42 =	vsel vm3, v5, v59  }
0x74: {  	v42 =	vsel vm4, v6, v42;
	v60, _, _ =	vpop (xrf0)  }
0x75: {  	v42 =	vsel vm5, v7, v42;
	v43 =	vbroadcast v60, $0xF  }
0x76: {  	v42 =	vsel vm6, v8, v42  }
0x77: {  	v61 =	vsel vm7, v9, v42;
	vm2 =	veq.f32 v34, v43  }
0x78: {  	v34 =	vnsel vm2, $0xC0000000, v61  }
0x79: {  	(xrf0) =	vmin.scan.msk.u32 $0xffff, v34;
	_ =	sdelay $0x5  }
0x7a: {  	v63, _, _ =	vpop (xrf0)  }
0x7b: {  	(v2sf) =	vpush v63, $0xF;
	_ =	sdelay $0x7  }
0x7c: {  	s4 =	simm.s32 $0x0  }
0x7d: {  	v62 =	vmov s4  }
0x7e: {  	vm2 =	veq.s32 v62, v2;
	v34 =	vimm.f32 $0.0e+00  }
0x7f: {  	s3 =	simm.s32 $0x2;
	s0 =	simm.s32 $0x1;
	v33 =	vld.idx.msk [tilespmem:v33+s24+$0x0], $0xffff;
	v42 =	vsel vm2, v43, v34  }
.LBB2_3:
0x80: {  	p1 =	sne.s32 s3, $0xA;
	_ =	sdelay $0x2  }
0x81: {  	s4 =	spop (v2sf)  }
0x82: {  	s4 =	sxor.u32 $0x80000000, s4  }
0x83: {  	v43 =	vmov s4  }
0x84: {  	vm3 =	veq.s32 v43, v2;
	vm4 =	veq.s32 v43, v10;
	vm5 =	veq.s32 v43, v11  }
0x85: {  	v35 =	vsel vm3, $0x7F800000, v35;
	v37 =	vsel vm4, $0x7F800000, v37;
	v39 =	vsel vm5, $0x7F800000, v39  }
0x86: {  	vm4 =	veq.s32 v43, v12;
	vm5 =	veq.s32 v43, v13;
	vm3 =	vlt.f32 v37, v35  }
0x87: {  	v38 =	vsel vm4, $0x7F800000, v38;
	v36 =	vsel vm5, $0x7F800000, v36;
	v44 =	vsel vm3, v37, v35  }
0x88: {  	vm6 =	veq.s32 v43, v15;
	vm5 =	veq.s32 v43, v14;
	vm4 =	vlt.f32 v39, v44;
	v45 =	vld.idx.msk [tilespmem:v43+s24+$0x0], $0xffff  }
0x89: {  	v41 =	vsel vm6, $0x7F800000, v41;
	v40 =	vsel vm5, $0x7F800000, v40;
	v43 =	vsel vm4, v39, v44  }
0x8a: {  	vm5 =	vlt.f32 v38, v43  }
0x8b: {  	v43 =	vsel vm5, v38, v43  }
0x8c: {  	vm6 =	vlt.f32 v36, v43  }
0x8d: {  	v43 =	vsel vm6, v36, v43  }
0x8e: {  	v34 =	vsel vm2, v45, v34;
	vm7 =	vlt.f32 v40, v43  }
0x8f: {  	v43 =	vsel vm7, v40, v43  }
0x90: {  	vm8 =	vlt.f32 v41, v43  }
0x91: {  	v43 =	vsel vm8, v41, v43  }
0x92: {  	(xrf0) =	vmin.scan.msk.f32 $0xffff, v43;
	_ =	sdelay $0x3  }
0x93: {  	v44 =	vsel vm3, v4, v3  }
0x94: {  	v44 =	vsel vm4, v5, v44  }
0x95: {  	v44 =	vsel vm5, v6, v44;
	v45, _, _ =	vpop (xrf0)  }
0x96: {  	v46 =	vmov s0;
	s0 =	smov.u32 s3;
	v44 =	vsel vm6, v7, v44;
	v45 =	vbroadcast v45, $0xF  }
0x97: {  	vm2 =	veq.s32 v46, v2;
	v44 =	vsel vm7, v8, v44  }
0x98: {  	vm3 =	veq.f32 v43, v45;
	v43 =	vsel vm8, v9, v44;
	v42 =	vsel vm2, v45, v42  }
0x99: {  	v43 =	vnsel vm3, $0xC0000000, v43  }
0x9a: {  	(xrf0) =	vmin.scan.msk.u32 $0xffff, v43;
	_ =	sdelay $0x5  }
0x9b: {  	v43, _, _ =	vpop (xrf0)  }
0x9c: {  	(v2sf) =	vpush v43, $0xF;
	_ =	sdelay $0x6  }
.Ltmp0:
0x9d: {  	(pc) =	sbr.rel @p1 .LBB2_3-.Ltmp0, $2  }
0x9e: {  	_ =	sdelay $0x2  }
0x9f: {  	s3 =	sadd.s32 $0x1, s3  }
0xa0: {  	_ =	sdelay $0x2  }
0xa1: {  	s3 =	spop (v2sf)  }
0xa2: {  	s3 =	sxor.u32 $0x80000000, s3  }
0xa3: {  	v43 =	vmov s3  }
0xa4: {  	vm3 =	veq.s32 v43, v2;
	vm4 =	veq.s32 v43, v10  }
0xa5: {  	v35 =	vsel vm3, $0x7F800000, v35;
	v37 =	vsel vm4, $0x7F800000, v37  }
0xa6: {  	vm3 =	veq.s32 v43, v11;
	vm4 =	vlt.f32 v37, v35  }
0xa7: {  	v39 =	vsel vm3, $0x7F800000, v39;
	v35 =	vsel vm4, v37, v35  }
0xa8: {  	vm3 =	veq.s32 v43, v12;
	vm5 =	vlt.f32 v39, v35  }
0xa9: {  	v46 =	vsel vm3, $0x7F800000, v38;
	v35 =	vsel vm5, v39, v35  }
0xaa: {  	vm3 =	veq.s32 v43, v13;
	vm6 =	vlt.f32 v46, v35  }
0xab: {  	v36 =	vsel vm3, $0x7F800000, v36;
	v35 =	vsel vm6, v46, v35  }
0xac: {  	vm3 =	veq.s32 v43, v14;
	vm7 =	vlt.f32 v36, v35  }
0xad: {  	v47 =	vsel vm3, $0x7F800000, v40;
	v35 =	vsel vm7, v36, v35  }
0xae: {  	vm3 =	veq.s32 v43, v15;
	vm8 =	vlt.f32 v47, v35  }
0xaf: {  	v48 =	vsel vm3, $0x7F800000, v41;
	v35 =	vsel vm8, v47, v35  }
0xb0: {  	vm9 =	vlt.f32 v48, v35  }
0xb1: {  	v35 =	vsel vm9, v48, v35  }
0xb2: {  	(xrf0) =	vmin.scan.msk.f32 $0xffff, v35;
	_ =	sdelay $0x5  }
0xb3: {  	v49, _, _ =	vpop (xrf0)  }
0xb4: {  	v50 =	vmov s0;
	v36 =	vbroadcast v49, $0xF  }
0xb5: {  	vm3 =	veq.s32 v50, v2  }
0xb6: {  	v37 =	vsel vm3, v36, v42  }
0xb7: {  	v51 =	vshra.s32 v37, $0x1  }
0xb8: {  	v38 =	vadd.s32 $0x1FBD1DF5, v51  }
0xb9: {  	(erf) = vrcp.f32 v38;
	_ =	sdelay $0x8  }
0xba: {  	v52 =	vpop (erf)  }
0xbb: {  	v39 =	vmul.f32 v52, v37  }
0xbc: {  	v53 =	vsel vm4, v4, v3  }
0xbd: {  	v40 =	vsel vm5, v5, v53;
	v38 =	vadd.f32 v38, v39  }
0xbe: {  	v54 =	vsel vm6, v6, v40  }
0xbf: {  	v39 =	vsel vm7, v7, v54;
	v38 =	vmul.f32 $5.000000000e-01, v38  }
0xc0: {  	v39 =	vsel vm8, v8, v39  }
0xc1: {  	vm15 =	veq.f32 v35, v36;
	v55 =	vsel vm9, v9, v39;
	(erf) = vrcp.f32 v38  }
0xc2: {  	v35 =	vnsel vm15, $0xC0000000, v55  }
0xc3: {  	(xrf0) =	vmin.scan.msk.u32 $0xffff, v35;
	_ =	sdelay $0x5  }
0xc4: {  	v35, _, _ =	vpop (xrf0)  }
0xc5: {  	v56 =	vpop (erf)  }
0xc6: {  	(v2sf) =	vpush v35, $0xF;
	v35 =	vmul.f32 v56, v37;
	_ =	sdelay $0x1  }
0xc7: {  	v35 =	vadd.f32 v35, v38;
	_ =	sdelay $0x1  }
0xc8: {  	v35 =	vmul.f32 $5.000000000e-01, v35;
	_ =	sdelay $0x1  }
0xc9: {  	(erf) = vrcp.f32 v35;
	_ =	sdelay $0x8  }
0xca: {  	s4 =	spop (v2sf);
	v57 =	vpop (erf)  }
0xcb: {  	s0 =	sxor.u32 $0x80000000, s4;
	v36 =	vmul.f32 v57, v37  }
0xcc: {  	v58 =	vmov s0  }
0xcd: {  	v35 =	vadd.f32 v36, v35;
	_ =	sdelay $0x1  }
0xce: {  	v35 =	vmul.f32 $5.000000000e-01, v35  }
0xcf: {  	v59 =	vld.idx.msk [tilespmem:v43+s24+$0x0], $0xffff  }
0xd0: {  	v60 =	vld.idx.msk [tilespmem:v58+s24+$0x0], $0xffff;
	[tilespmem:$0xF900] =	vst v35  }
0xd1: {  	v61 =	vld.idx.msk [tilespmem:v16+s25+$0x0], $0xffff;
	_ =	sdelay $0x4  }
0xd2: {  	v38 =	vadd.f32 $9.999999930e-09, v61;
	_ =	sdelay $0x1  }
0xd3: {  	(erf) = vrcp.f32 v38;
	_ =	sdelay $0x6  }
0xd4: {  	v34 =	vsel vm2, v59, v34  }
0xd5: {  	v34 =	vsel vm3, v60, v34  }
0xd6: {  	v33 =	vsub.f32 v34, v33;
	v62 =	vpop (erf)  }
0xd7: {  	v63 =	vmul.f32 v62, v35  }
0xd8: {  	s31 =	sadd.s32 $0x1, s31;
	v33 =	vand.u32 $0x7FFFFFFF, v33  }
0xd9: {  	p1 =	sne.s32 s31, $0x4;
	v33 =	vsub.f32 v33, v63  }
.Ltmp1:
0xda: {  	_ = 	snop;
	(pc) =	sbr.rel @p1 .LBB2_2-.Ltmp1, $3  }
0xdb: {  	v33 =	vand.u32 $0x7FFFFFFF, v33  }
0xdc: {  	v33 =	vmul.f32 v17, v33;
	_ =	sdelay $0x1  }
0xdd: {  	v18 =	vadd.f32 v33, v18  }
0xde: {  	_ =	swait.ge [sflag:s26], $0x7A10  }
0xdf: {  	[sflag:s26] =	ssyncset.done $0x0  }
0xe0: {  	[sflag:s26] =	ssyncadd.s32 $0xFFFF85F0  }
0xe1: {  	_ =	swait.ge [sflag:s28], $0x7A10  }
0xe2: {  	s0 =	simm.s32 $0x0;
	[sflag:s28] =	ssyncset.done $0x0  }
0xe3: {  	s0 =	sand.u32 $0xFFF0, s0;
	[sflag:s28] =	ssyncadd.s32 $0xFFFF85F0  }
0xe4: {  	v19 =	vld [tilespmem:s0+$0x80]  }
0xe5: {  	s3 =	simm.s32 $0x40;
	v20 =	vld [tilespmem:s0+$0x7B00]  }
0xe6: {  	v22 =	vld [tilespmem:s3+$0x30]  }
0xe7: {  	v24 =	vld [tilespmem:s3+$0xFFFFFFD0]  }
0xe8: {  	v26 =	vld [tilespmem:s3+$0xFFFFFFE0]  }
0xe9: {  	v28 =	vld [tilespmem:s3+$0xFFFFFFF0]  }
0xea: {  	s0 =	simm.s32 $0x7AC0;
	v30 =	vld [tilespmem:s3+$0x0]  }
0xeb: {  	v23 =	vld [tilespmem:s0+$0x30]  }
0xec: {  	v25 =	vld [tilespmem:s0+$0xFFFFFFD0]  }
0xed: {  	v27 =	vld [tilespmem:s0+$0xFFFFFFE0]  }
0xee: {  	v29 =	vld [tilespmem:s0+$0xFFFFFFF0]  }
0xef: {  	v32 =	vld [tilespmem:s3+$0x10]  }
0xf0: {  	v22 =	vsub.f32 v22, v23;
	v23 =	vld [tilespmem:s0+$0x0]  }
0xf1: {  	v31 =	vld [tilespmem:s3+$0x20];
	v19 =	vsub.f32 v19, v20  }
0xf2: {  	v24 =	vsub.f32 v24, v25;
	v25 =	vsub.f32 v26, v27;
	v26 =	vld [tilespmem:s0+$0x10];
	v20 =	vmul.f32 v22, v22  }
0xf3: {  	v35 =	vld [tilespmem:s3+$0xFFFFFFC0];
	v28 =	vsub.f32 v28, v29;
	v27 =	vmul.f32 v19, v19;
	v22 =	vimm.f32 $0.0e+00  }
0xf4: {  	s4 =	simm.s32 $0x90;
	v33 =	vld [tilespmem:s0+$0x20];
	v24 =	vmul.f32 v24, v24;
	v25 =	vmul.f32 v25, v25;
	v19 =	vadd.f32 v20, v22  }
0xf5: {  	s4 =	sand.u32 $0xFFF0, s4;
	v21 =	vld [tilespmem:s0+$0xFFFFFFC0];
	v34 =	vmul.f32 v28, v28;
	v20 =	vadd.f32 v27, v22;
	v23 =	vsub.f32 v30, v23  }
0xf6: {  	v29 =	vld [tilespmem:s4+$0x7B00];
	v27 =	vadd.f32 v24, v22;
	v24 =	vadd.f32 v25, v22  }
0xf7: {  	s3 =	simm.s32 $0xD0;
	v28 =	vld [tilespmem:s4+$0x80];
	v25 =	vadd.f32 v34, v22;
	v34 =	vsub.f32 v32, v26;
	v36 =	vmul.f32 v23, v23  }
0xf8: {  	s31 =	simm.s32 $0x120;
	s0 =	simm.s32 $0x7B50;
	v32 =	vld [tilespmem:s3+$0x30];
	v26 =	vimm.f32 $0.0e+00;
	v30 =	vimm.f32 $0.0e+00;
	v23 =	vimm.f32 $0.0e+00  }
.LBB2_6:
0xf9: {  	p1 =	sne.s32 s31, $0x7980;
	v37 =	vld [tilespmem:s0+$0x30];
	v22 =	vadd.f32 v36, v22;
	v34 =	vmul.f32 v34, v34;
	v31 =	vsub.f32 v31, v33  }
0xfa: {  	v33 =	vsub.f32 v35, v21;
	v21 =	vld [tilespmem:s0+$0xFFFFFFC0]  }
0xfb: {  	v35 =	vld [tilespmem:s3+$0xFFFFFFD0];
	v26 =	vadd.f32 v34, v26;
	v31 =	vmul.f32 v31, v31  }
0xfc: {  	v34 =	vld [tilespmem:s0+$0xFFFFFFD0];
	v33 =	vmul.f32 v33, v33  }
0xfd: {  	v28 =	vsub.f32 v28, v29;
	v36 =	vld [tilespmem:s3+$0xFFFFFFE0];
	v23 =	vadd.f32 v31, v23  }
0xfe: {  	v29 =	vld [tilespmem:s0+$0xFFFFFFE0];
	v31 =	vsub.f32 v32, v37;
	v30 =	vadd.f32 v33, v30  }
0xff: {  	v32 =	vld [tilespmem:s3+$0xFFFFFFF0]  }
0x100: {  	v28 =	vmul.f32 v28, v28;
	v33 =	vld [tilespmem:s0+$0xFFFFFFF0];
	v31 =	vmul.f32 v31, v31  }
0x101: {  	v34 =	vsub.f32 v35, v34;
	v37 =	vld [tilespmem:s3+$0x0]  }
0x102: {  	v20 =	vadd.f32 v28, v20;
	v38 =	vld [tilespmem:s0+$0x0];
	v19 =	vadd.f32 v31, v19  }
0x103: {  	v28 =	vmul.f32 v34, v34;
	v29 =	vsub.f32 v36, v29;
	v34 =	vld [tilespmem:s3+$0x10]  }
0x104: {  	v39 =	vld [tilespmem:s0+$0x10]  }
0x105: {  	v27 =	vadd.f32 v28, v27;
	v28 =	vmul.f32 v29, v29;
	v29 =	vsub.f32 v32, v33;
	v31 =	vld [tilespmem:s3+$0x20]  }
.Ltmp2:
0x106: {  	v33 =	vld [tilespmem:s0+$0x20];
	(pc) =	sbr.rel @p1 .LBB2_6-.Ltmp2, $4  }
0x107: {  	s4 =	sand.u32 $0xFFF0, s31;
	v35 =	vld [tilespmem:s3+$0xFFFFFFC0];
	v24 =	vadd.f32 v28, v24;
	v32 =	vmul.f32 v29, v29;
	v36 =	vsub.f32 v37, v38  }
0x108: {  	v28 =	vld [tilespmem:s4+$0x80]  }
0x109: {  	s3 =	sadd.s32 $0x90, s3;
	v29 =	vld [tilespmem:s4+$0x7B00];
	v25 =	vadd.f32 v32, v25;
	v36 =	vmul.f32 v36, v36;
	v34 =	vsub.f32 v34, v39  }
0x10a: {  	s31 =	sadd.s32 $0x90, s31;
	s0 =	sadd.s32 $0x90, s0;
	v32 =	vld [tilespmem:s3+$0x30]  }
0x10b: {  	v37 =	vld [tilespmem:s0+$0xFFFFFFC0]  }
0x10c: {  	v38 =	vld [tilespmem:s3+$0xFFFFFFD0]  }
0x10d: {  	v39 =	vld [tilespmem:s0+$0xFFFFFFD0]  }
0x10e: {  	v40 =	vld [tilespmem:s3+$0xFFFFFFE0]  }
0x10f: {  	v41 =	vld [tilespmem:s3+$0xFFFFFFC0]  }
0x110: {  	v42 =	vld [tilespmem:s0+$0xFFFFFFE0]  }
0x111: {  	v54 =	vld [tilespmem:s3+$0xFFFFFFF0];
	v21 =	vsub.f32 v35, v21  }
0x112: {  	v43 =	vld [tilespmem:s0+$0xFFFFFFF0]  }
0x113: {  	v44 =	vld [tilespmem:s3+$0x0];
	v21 =	vmul.f32 v21, v21  }
0x114: {  	v55 =	vld [tilespmem:s0+$0x0];
	v38 =	vsub.f32 v38, v39;
	v37 =	vsub.f32 v41, v37  }
0x115: {  	v58 =	vld [tilespmem:s3+$0x10];
	v21 =	vadd.f32 v21, v30  }
0x116: {  	v59 =	vld [tilespmem:s0+$0x10];
	v57 =	vsub.f32 v40, v42;
	v56 =	vmul.f32 v38, v38;
	v37 =	vmul.f32 v37, v37  }
0x117: {  	v61 =	vld [tilespmem:s3+$0x20];
	v35 =	vsub.f32 v54, v43  }
0x118: {  	v63 =	vld [tilespmem:s0+$0x20];
	v60 =	vmul.f32 v57, v57;
	v27 =	vadd.f32 v56, v27;
	v21 =	vadd.f32 v37, v21  }
0x119: {  	v22 =	vadd.f32 v36, v22;
	v62 =	vsub.f32 v44, v55  }
0x11a: {  	v39 =	vld [tilespmem:s0+$0x30];
	v35 =	vmul.f32 v35, v35;
	v24 =	vadd.f32 v60, v24;
	v21 =	vadd.f32 v27, v21  }
0x11b: {  	v31 =	vsub.f32 v31, v33;
	v41 =	vmul.f32 v34, v34;
	v42 =	vsub.f32 v58, v59  }
0x11c: {  	v33 =	vmul.f32 v62, v62;
	v25 =	vadd.f32 v35, v25;
	v21 =	vadd.f32 v24, v21  }
0x11d: {  	v44 =	vmul.f32 v31, v31;
	v46 =	vsub.f32 v61, v63;
	v43 =	vadd.f32 v41, v26  }
0x11e: {  	v45 =	vmul.f32 v42, v42;
	v22 =	vadd.f32 v33, v22;
	v21 =	vadd.f32 v25, v21  }
0x11f: {  	v23 =	vadd.f32 v44, v23;
	v47 =	vsub.f32 v32, v39  }
0x120: {  	v49 =	vld [tilespmem:$0xF500];
	v48 =	vmul.f32 v46, v46;
	v24 =	vadd.f32 v45, v43;
	v21 =	vadd.f32 v22, v21  }
0x121: {  	v51 =	vld [tilespmem:$0xF580];
	v50 =	vsub.f32 v28, v29  }
0x122: {  	v52 =	vld [tilespmem:$0xF510];
	v23 =	vadd.f32 v48, v23;
	v25 =	vmul.f32 v47, v47;
	v21 =	vadd.f32 v24, v21  }
0x123: {  	(xrf2) =	vadd.scan.msk.f32 $0xffff, v18;
	v18 =	vld [tilespmem:$0xF590];
	v53 =	vmul.f32 v50, v50  }
0x124: {  	v54 =	vld [tilespmem:$0xF520];
	v19 =	vadd.f32 v25, v19;
	v21 =	vadd.f32 v23, v21  }
0x125: {  	v55 =	vld [tilespmem:$0xF5A0];
	v20 =	vadd.f32 v53, v20  }
0x126: {  	v58 =	vld [tilespmem:$0xF5B0];
	v56 =	vsub.f32 v49, v51;
	v19 =	vadd.f32 v19, v21  }
0x127: {  	v57 =	vld [tilespmem:$0xF530]  }
0x128: {  	v18 =	vsub.f32 v52, v18;
	v59 =	vmul.f32 v56, v56;
	v19 =	vadd.f32 v20, v19;
	_ =	sdelay $0x1  }
0x129: {  	v18 =	vmul.f32 v18, v18;
	v60 =	vsub.f32 v54, v55;
	v19 =	vadd.f32 v59, v19;
	_ =	sdelay $0x1  }
0x12a: {  	v61 =	vsub.f32 v57, v58;
	v18 =	vadd.f32 v18, v19;
	v19 =	vmul.f32 v60, v60  }
0x12b: {  	v62, _, _ =	vpop (xrf2)  }
0x12c: {  	v21 =	vbroadcast v62, $0xF;
	v18 =	vadd.f32 v19, v18;
	v19 =	vmul.f32 v61, v61  }
0x12d: {  	v63 =	vsel vm1, $0x3F800000, v1  }
0x12e: {  	v18 =	vadd.f32 v19, v18;
	v19 =	vmul.f32 v63, v21;
	_ =	sdelay $0x1  }
0x12f: {  	v18 =	vmul.f32 $8.000000090e-07, v18;
	v19 =	vmul.f32 v19, v0;
	_ =	sdelay $0x1  }
0x130: {  	s30 =	sadd.s32 $0x1, s30;
	v18 =	vadd.f32 v18, v19  }
0x131: {  	p1 =	sne.s32 s30, s18  }
.Ltmp3:
0x132: {  	[tilespmem:$0xF980] =	vst v18;
	(pc) =	sbr.rel @p1 .LBB2_1-.Ltmp3, $4  }
0x133: {  	[hbm4b:s10+s5] =	stream.linear.scatter [tilespmem:s29], [sflag:$0x4], $0x80, $0x38;
	[tilespmem:$0xFA00] =	vst v63  }
0x134: {  	_ =	swait.ge [sflag:s19], $0x80  }
0x135: {  	[sflag:s19] =	ssyncset.done $0x0  }
0x136: {  	[sflag:s19] =	ssyncadd.s32 $0xFFFFFF80  }
0x137: {  	_ =	sfence.sel $0x180000  }
0x138: {  	[bflag:$0x0] =	sbarrier.arrive $0xFFFF  }
0x139: {  	_ =	strace $0x90000047  }
0x13a: {  	s0 =	stileid.u32;
	[bflag:$0x2] =	sbarrier.arrive $0xFFFF  }
0x13b: {  	p0 =	sne.s32 s0, $0x0;
	s0 =	rddreg [dreg:$0x4]  }
0x13c: {  	s0 =	sadd.s32 @!p0 $0x100000, s0  }
0x13d: {  	[sflag:s0] =	ssyncadd.tile.s32 @!p0 $0x1;
	_ =	shalt  }
.Lfunc_end2:
_tile_overlayer_lowered:
.L_overlay_start_2:
0x13e: {  	(tag) =	ssettag $0x2  }
0x13f: {  	s0 =	rddreg [dreg:$0x0];
	s2 =	stileid.u32  }
0x140: {  	s1 =	rddreg [dreg:$0x1];
	p0 =	sne.s32 s2, $0x0  }
0x141: {  	s3 =	rddreg [dreg:$0x2];
	[bflag:$0x3] =	sbarrier.arrive $0xFFFF;
	s2 =	simm.s32 @!p0 $0x1C04  }
0x142: {  	[timem:s3], [sflag:s2] =	dma.local @!p0 [hbm:s0], s1  }
0x143: {  	s0 =	simm.s32 @!p0 $0x4  }
0x144: {  	_ =	swait.ge @!p0 [sflag:s0], s1  }
0x145: {  	s1 =	ssub.s32 @!p0 $0x0, s1;
	[sflag:s0] =	ssyncset.done @!p0 $0x0  }
0x146: {  	[sflag:s0] =	ssyncadd.s32 @!p0 s1  }
0x147: {  	[bflag:$0x3] =	sbarrier.arrive $0xFFFF  }
0x148: {  	_ =	shalt  }

</sc_bundles>
